<compile_context>
chip_gen: v7x
topology: tpu7x:2x2x1
jax: 0.10.2.dev20260603
libtpu: 0.0.44.dev20260713+nightly
codegen_flags: <defaults>
</compile_context>

<pallas_src>
import functools

import jax
import jax.numpy as jnp
from jax import lax
from jax.experimental import pallas as pl
from jax.experimental.pallas import tpu as pltpu
from jax.experimental.pallas import tpu_sc as plsc

N = 100000
E = 6400000
NW = 32
EPW = E // NW
K = 2000
NCHUNK = EPW // K
LANES = 16
NPAD = 100096
SLICE = NPAD // 16
CBRT_MAGIC = 710235477


def _cbrt(x):
    i = lax.bitcast_convert_type(x, jnp.int32)
    y = lax.bitcast_convert_type(lax.div(i, jnp.int32(3)) + CBRT_MAGIC,
                                 jnp.float32)
    third = jnp.float32(1.0 / 3.0)
    for _ in range(3):
        y = (y + y + x / (y * y)) * third
    return y


def _sc_body(t_hbm, cp_hbm, src_hbm, dst_hbm, l_hbm, c_hbm, a_hbm, dt_hbm,
             out_hbm,
             src_v, dst_v, l_v, c_v, a_v, ts_v, td_v, cs_v, cd_v,
             val_v, nval_v, dt_v, z_v, accum, sem):
    c = lax.axis_index("c")
    s = lax.axis_index("s")
    wid = c * 16 + s

    def zinit(i, _):
        z_v[pl.ds(i * LANES, LANES)] = jnp.zeros((LANES,), jnp.float32)
        return 0
    lax.fori_loop(0, SLICE // LANES, zinit, 0)
    pltpu.sync_copy(z_v, accum.at[pl.ds(s * SLICE, SLICE)])
    pltpu.sync_copy(dt_hbm, dt_v)
    plsc.subcore_barrier()

    def chunk(t, _):
        base = wid * EPW + t * K
        esl = pl.ds(base, K)
        pltpu.sync_copy(src_hbm.at[esl], src_v)
        pltpu.sync_copy(dst_hbm.at[esl], dst_v)
        pltpu.sync_copy(l_hbm.at[esl], l_v)
        pltpu.sync_copy(c_hbm.at[esl], c_v)
        pltpu.sync_copy(a_hbm.at[esl], a_v)
        pltpu.async_copy(t_hbm.at[src_v], ts_v, sem).wait()
        pltpu.async_copy(t_hbm.at[dst_v], td_v, sem).wait()
        pltpu.async_copy(cp_hbm.at[src_v], cs_v, sem).wait()
        pltpu.async_copy(cp_hbm.at[dst_v], cd_v, sem).wait()

        def step(j, _):
            sl = pl.ds(j * LANES, LANES)
            ts = ts_v[sl]
            td = td_v[sl]
            delta = jnp.maximum(ts - td, jnp.float32(0.0))
            x = delta / l_v[sl] * c_v[sl]
            x = jnp.where(x > 0, x, jnp.float32(0.0))
            hf = _cbrt(x) * a_v[sl]
            ec = hf * dt_v[pl.ds(0, LANES)]
            cs = cs_v[sl]
            cd = cd_v[sl]
            ccp = cd * cs / (cd + cs)
            e = jnp.minimum(ec, delta * ccp)
            e = jnp.where(x > 0, e, jnp.float32(0.0))
            val_v[sl] = e
            nval_v[sl] = -e
            return 0
        lax.fori_loop(0, K // LANES, step, 0)

        pltpu.sync_copy(val_v, accum.at[dst_v], add=True)
        pltpu.sync_copy(nval_v, accum.at[src_v], add=True)
        return 0
    lax.fori_loop(0, NCHUNK, chunk, 0)

    plsc.subcore_barrier()
    pltpu.sync_copy(accum.at[pl.ds(s * SLICE, SLICE)], z_v)
    pltpu.sync_copy(z_v, out_hbm.at[pl.ds(c * NPAD + s * SLICE, SLICE)])


_sc_kernel = functools.partial(
    pl.kernel,
    out_type=jax.ShapeDtypeStruct((2 * NPAD,), jnp.float32),
    mesh=plsc.VectorSubcoreMesh(core_axis_name="c", subcore_axis_name="s"),
    scratch_types=[
        pltpu.VMEM((K,), jnp.int32),
        pltpu.VMEM((K,), jnp.int32),
        pltpu.VMEM((K,), jnp.float32),
        pltpu.VMEM((K,), jnp.float32),
        pltpu.VMEM((K,), jnp.float32),
        pltpu.VMEM((K,), jnp.float32),
        pltpu.VMEM((K,), jnp.float32),
        pltpu.VMEM((K,), jnp.float32),
        pltpu.VMEM((K,), jnp.float32),
        pltpu.VMEM((K,), jnp.float32),
        pltpu.VMEM((K,), jnp.float32),
        pltpu.VMEM((LANES,), jnp.float32),
        pltpu.VMEM((SLICE,), jnp.float32),
        pltpu.VMEM_SHARED((NPAD,), jnp.float32),
        pltpu.SemaphoreType.DMA,
    ],
)(_sc_body)


def _reduce_body(a_ref, o_ref):
    o_ref[...] = a_ref[0] + a_ref[1]


def _reduce2(a):
    a3 = a.reshape(2, NPAD // 128, 128)
    out = pl.pallas_call(
        _reduce_body,
        out_shape=jax.ShapeDtypeStruct((NPAD // 128, 128), jnp.float32),
    )(a3)
    return out.reshape(NPAD)[:N]


def kernel(T, thermal_capacity, L, conductivity, A, time_step, edge_index):
    dt16 = jnp.broadcast_to(time_step, (LANES,))
    partial = _sc_kernel(T, thermal_capacity, edge_index[0], edge_index[1],
                         L, conductivity, A, dt16)
    return _reduce2(partial)

# --- scband reference (transcript-rebuilt; emitter-appended) ---
"""Pipeline reference for scband-message-factory-conduction-helium-bath-1228360646891 (READ-ONLY COPY).

The authoritative reference and input builder live on the scoring server;
editing this copy changes nothing except your own understanding.
"""

import jax, jax.numpy as jnp
import numpy as np

N = 100000
E = 6400000

def setup_inputs(seed: int = 0) -> dict:
    key = jax.random.key(seed)
    ks = jax.random.split(key, 7)
    return {
        "T": jax.random.uniform(ks[0], (N,), dtype=jnp.float32),
        "thermal_capacity": jax.random.uniform(ks[1], (N,), dtype=jnp.float32),
        "L": jax.random.uniform(ks[2], (E,), dtype=jnp.float32),
        "conductivity": jax.random.uniform(ks[3], (E,), dtype=jnp.float32),
        "A": jax.random.uniform(ks[4], (E,), dtype=jnp.float32),
        "time_step": jax.random.uniform(ks[5], (1,), dtype=jnp.float32),
        "edge_index": jax.random.randint(ks[6], (2, E), 0, N, dtype=jnp.int32),
    }

def reference(T, thermal_capacity, L, conductivity, A, time_step, edge_index):
    src = edge_index[0]
    dst = edge_index[1]
    # broadcast node temperature to edges (gather)
    T_src = jnp.take(T, src, axis=0)
    T_dst = jnp.take(T, dst, axis=0)
    delta_T = T_dst - T_src
    delta_T = jax.nn.relu(-delta_T)
    gradient_temperatures = delta_T / L
    x = gradient_temperatures * conductivity
    # cube root; x >= 0 always (relu upstream). Guard exact zeros so pow is well-defined.
    safe_x = jnp.where(x > 0, x, 1.0)
    heat_flux_density = jnp.where(x > 0, jnp.power(safe_x, 1.0 / 3.0), 0.0)
    heat_flux = heat_flux_density * A
    E_transf_conduction = heat_flux * time_step[0]
    cp_src = jnp.take(thermal_capacity, src, axis=0)
    cp_dst = jnp.take(thermal_capacity, dst, axis=0)
    combined_cp = cp_dst * cp_src / (cp_dst + cp_src)
    max_energy_transferable = delta_T * combined_cp
    E_transf = jnp.minimum(E_transf_conduction, max_energy_transferable)
    # pool edges to nodes (scatter-add, default tfgnn pool is sum)
    heat_sent = jax.ops.segment_sum(E_transf, src, num_segments=N)
    heat_received = jax.ops.segment_sum(E_transf, dst, num_segments=N)
    heat_sum_magnets = -heat_sent + heat_received
    return heat_sum_magnets

if __name__ == "__main__":
    import jax
    _d = setup_inputs()
    print(jax.jit(kernel)(*tuple(_d.values())))

</pallas_src>

<mosaic_0001>
#map = affine_map<(d0, d1) -> (0)>
module attributes {stable_mosaic.version = 14 : i64} {
  func.func @_sc_body(%arg0: i32, %arg1: i32, %arg2: memref<100000xf32, #tpu.memory_space<hbm>>, %arg3: memref<100000xf32, #tpu.memory_space<hbm>>, %arg4: memref<6400000xi32, #tpu.memory_space<hbm>>, %arg5: memref<6400000xi32, #tpu.memory_space<hbm>>, %arg6: memref<6400000xf32, #tpu.memory_space<hbm>>, %arg7: memref<6400000xf32, #tpu.memory_space<hbm>>, %arg8: memref<6400000xf32, #tpu.memory_space<hbm>>, %arg9: memref<16xf32, #tpu.memory_space<hbm>>, %arg10: memref<200192xf32, #tpu.memory_space<hbm>>, %arg11: memref<2000xi32, #tpu.memory_space<vmem>>, %arg12: memref<2000xi32, #tpu.memory_space<vmem>>, %arg13: memref<2000xf32, #tpu.memory_space<vmem>>, %arg14: memref<2000xf32, #tpu.memory_space<vmem>>, %arg15: memref<2000xf32, #tpu.memory_space<vmem>>, %arg16: memref<2000xf32, #tpu.memory_space<vmem>>, %arg17: memref<2000xf32, #tpu.memory_space<vmem>>, %arg18: memref<2000xf32, #tpu.memory_space<vmem>>, %arg19: memref<2000xf32, #tpu.memory_space<vmem>>, %arg20: memref<2000xf32, #tpu.memory_space<vmem>>, %arg21: memref<2000xf32, #tpu.memory_space<vmem>>, %arg22: memref<16xf32, #tpu.memory_space<vmem>>, %arg23: memref<6256xf32, #tpu.memory_space<vmem>>, %arg24: memref<100096xf32, #tpu.memory_space<vmem_shared>>, %arg25: memref<!tpu.dma_semaphore, #tpu.memory_space<semaphore_mem>>) attributes {dimension_semantics = [#tpu.dimension_semantics<core_parallel>, #tpu.dimension_semantics<subcore_parallel>], iteration_bounds = array<i64: 2, 16>, scalar_prefetch = 0 : i64, scratch_operands = 15 : i64, tpu.core_type = #tpu.core_type<sc_vector_subcore>, window_params = [{transform_indices = #map}, {transform_indices = #map}, {transform_indices = #map}, {transform_indices = #map}, {transform_indices = #map}, {transform_indices = #map}, {transform_indices = #map}, {transform_indices = #map}, {transform_indices = #map}]} {
    %mul3A = arith.constant 16 : i32
    %mul3A_0 = arith.muli %arg0, %mul3A : i32
    %add3A = arith.addi %mul3A_0, %arg1 : i32
    %scan3A = arith.constant 0 : i32
    %scan3A_1 = arith.constant 0 : i32
    %scan3A_2 = arith.constant 391 : i32
    %scan3A_3 = arith.addi %scan3A_1, %scan3A_2 : i32
    %scan3A_4 = arith.constant 1 : i32
    %scan3A_5 = scf.for %scan3A_24 = %scan3A_1 to %scan3A_3 step %scan3A_4 iter_args(%scan3A_25 = %scan3A) -> (i32)  : i32 {
      %broadcast_in_dim3A = arith.constant 0.000000e+00 : f32
      %broadcast_in_dim3A_26 = vector.broadcast %broadcast_in_dim3A : f32 to vector<16xf32>
      %mul3A_27 = arith.constant 16 : i32
      %mul3A_28 = arith.muli %scan3A_24, %mul3A_27 : i32
      %swap3A = arith.index_cast %mul3A_28 : i32 to index
      %swap3A_29 = tpu.vector_load %arg23[%swap3A] {strides = array<i32>} : memref<6256xf32, #tpu.memory_space<vmem>>, vector<16xf32>,
      %swap3A_30 = vector.shape_cast %swap3A_29 : vector<16xf32> to vector<16xf32>
      %swap3A_31 = vector.shape_cast %broadcast_in_dim3A_26 : vector<16xf32> to vector<16xf32>
      tpu.vector_store %arg23[%swap3A], %swap3A_31 {strides = array<i32>} : memref<6256xf32, #tpu.memory_space<vmem>>, vector<16xf32>,
      %scan3A_32 = arith.constant 0 : i32
      scf.yield %scan3A_32 : i32
    }
    %scan3A_6 = arith.constant 391 : i32
    %mul3A_7 = arith.constant 6256 : i32
    %mul3A_8 = arith.muli %arg1, %mul3A_7 : i32
    "tpu.region"() ({
      %run_scoped3A = tpu.sem_alloc : memref<!tpu.dma_semaphore, #tpu.memory_space<semaphore_mem>>
      %dma_start3A = tpu.memref_slice %arg24[%mul3A_8] : memref<100096xf32, #tpu.memory_space<vmem_shared>> -> memref<6256xf32, #tpu.memory_space<vmem_shared>>
      %dma_start3A_24 = tpu.memref_slice %arg24[%mul3A_8] : memref<100096xf32, #tpu.memory_space<vmem_shared>> -> memref<6256xf32, #tpu.memory_space<vmem_shared>>
      tpu.enqueue_dma source(%arg23 : memref<6256xf32, #tpu.memory_space<vmem>>) target(%dma_start3A_24 : memref<6256xf32, #tpu.memory_space<vmem_shared>>) target_semaphore(%run_scoped3A : memref<!tpu.dma_semaphore, #tpu.memory_space<semaphore_mem>>)
      %dma_wait3A = tpu.memref_slice %arg24[%mul3A_8] : memref<100096xf32, #tpu.memory_space<vmem_shared>> -> memref<6256xf32, #tpu.memory_space<vmem_shared>>
      %dma_wait3A_25 = tpu.memref_slice %arg24[%mul3A_8] : memref<100096xf32, #tpu.memory_space<vmem_shared>> -> memref<6256xf32, #tpu.memory_space<vmem_shared>>
      tpu.wait_dma2 semaphore(%run_scoped3A : memref<!tpu.dma_semaphore, #tpu.memory_space<semaphore_mem>>) src(%arg23 : memref<6256xf32, #tpu.memory_space<vmem>>) dst(%dma_wait3A_25 : memref<6256xf32, #tpu.memory_space<vmem_shared>>)
      tpu.yield
    }) : () -> ()
    "tpu.region"() ({
      %run_scoped3A = tpu.sem_alloc : memref<!tpu.dma_semaphore, #tpu.memory_space<semaphore_mem>>
      tpu.enqueue_dma source(%arg9 : memref<16xf32, #tpu.memory_space<hbm>>) target(%arg22 : memref<16xf32, #tpu.memory_space<vmem>>) target_semaphore(%run_scoped3A : memref<!tpu.dma_semaphore, #tpu.memory_space<semaphore_mem>>)
      tpu.wait_dma2 semaphore(%run_scoped3A : memref<!tpu.dma_semaphore, #tpu.memory_space<semaphore_mem>>) src(%arg9 : memref<16xf32, #tpu.memory_space<hbm>>) dst(%arg22 : memref<16xf32, #tpu.memory_space<vmem>>)
      tpu.yield
    }) : () -> ()
    %barrier3A = arith.constant 0 : index
    tpu.barrier barrier_id(%barrier3A)
    %scan3A_9 = arith.constant 0 : i32
    %scan3A_10 = arith.constant 0 : i32
    %scan3A_11 = arith.constant 100 : i32
    %scan3A_12 = arith.addi %scan3A_10, %scan3A_11 : i32
    %scan3A_13 = arith.constant 1 : i32
    %scan3A_14 = scf.for %scan3A_24 = %scan3A_10 to %scan3A_12 step %scan3A_13 iter_args(%scan3A_25 = %scan3A_9) -> (i32)  : i32 {
      %mul3A_26 = arith.constant 200000 : i32
      %mul3A_27 = arith.muli %add3A, %mul3A_26 : i32
      %mul3A_28 = arith.constant 2000 : i32
      %mul3A_29 = arith.muli %scan3A_24, %mul3A_28 : i32
      %add3A_30 = arith.addi %mul3A_27, %mul3A_29 : i32
      "tpu.region"() ({
        %run_scoped3A = tpu.sem_alloc : memref<!tpu.dma_semaphore, #tpu.memory_space<semaphore_mem>>
        %dma_start3A_53 = tpu.memref_slice %arg4[%add3A_30] : memref<6400000xi32, #tpu.memory_space<hbm>> -> memref<2000xi32, #tpu.memory_space<hbm>>
        %dma_start3A_54 = tpu.memref_slice %arg4[%add3A_30] : memref<6400000xi32, #tpu.memory_space<hbm>> -> memref<2000xi32, #tpu.memory_space<hbm>>
        tpu.enqueue_dma source(%dma_start3A_54 : memref<2000xi32, #tpu.memory_space<hbm>>) target(%arg11 : memref<2000xi32, #tpu.memory_space<vmem>>) target_semaphore(%run_scoped3A : memref<!tpu.dma_semaphore, #tpu.memory_space<semaphore_mem>>)
        %dma_wait3A_55 = tpu.memref_slice %arg4[%add3A_30] : memref<6400000xi32, #tpu.memory_space<hbm>> -> memref<2000xi32, #tpu.memory_space<hbm>>
        %dma_wait3A_56 = tpu.memref_slice %arg4[%add3A_30] : memref<6400000xi32, #tpu.memory_space<hbm>> -> memref<2000xi32, #tpu.memory_space<hbm>>
        tpu.wait_dma2 semaphore(%run_scoped3A : memref<!tpu.dma_semaphore, #tpu.memory_space<semaphore_mem>>) src(%dma_wait3A_56 : memref<2000xi32, #tpu.memory_space<hbm>>) dst(%arg11 : memref<2000xi32, #tpu.memory_space<vmem>>)
        tpu.yield
      }) : () -> ()
      "tpu.region"() ({
        %run_scoped3A = tpu.sem_alloc : memref<!tpu.dma_semaphore, #tpu.memory_space<semaphore_mem>>
        %dma_start3A_53 = tpu.memref_slice %arg5[%add3A_30] : memref<6400000xi32, #tpu.memory_space<hbm>> -> memref<2000xi32, #tpu.memory_space<hbm>>
        %dma_start3A_54 = tpu.memref_slice %arg5[%add3A_30] : memref<6400000xi32, #tpu.memory_space<hbm>> -> memref<2000xi32, #tpu.memory_space<hbm>>
        tpu.enqueue_dma source(%dma_start3A_54 : memref<2000xi32, #tpu.memory_space<hbm>>) target(%arg12 : memref<2000xi32, #tpu.memory_space<vmem>>) target_semaphore(%run_scoped3A : memref<!tpu.dma_semaphore, #tpu.memory_space<semaphore_mem>>)
        %dma_wait3A_55 = tpu.memref_slice %arg5[%add3A_30] : memref<6400000xi32, #tpu.memory_space<hbm>> -> memref<2000xi32, #tpu.memory_space<hbm>>
        %dma_wait3A_56 = tpu.memref_slice %arg5[%add3A_30] : memref<6400000xi32, #tpu.memory_space<hbm>> -> memref<2000xi32, #tpu.memory_space<hbm>>
        tpu.wait_dma2 semaphore(%run_scoped3A : memref<!tpu.dma_semaphore, #tpu.memory_space<semaphore_mem>>) src(%dma_wait3A_56 : memref<2000xi32, #tpu.memory_space<hbm>>) dst(%arg12 : memref<2000xi32, #tpu.memory_space<vmem>>)
        tpu.yield
      }) : () -> ()
      "tpu.region"() ({
        %run_scoped3A = tpu.sem_alloc : memref<!tpu.dma_semaphore, #tpu.memory_space<semaphore_mem>>
        %dma_start3A_53 = tpu.memref_slice %arg6[%add3A_30] : memref<6400000xf32, #tpu.memory_space<hbm>> -> memref<2000xf32, #tpu.memory_space<hbm>>
        %dma_start3A_54 = tpu.memref_slice %arg6[%add3A_30] : memref<6400000xf32, #tpu.memory_space<hbm>> -> memref<2000xf32, #tpu.memory_space<hbm>>
        tpu.enqueue_dma source(%dma_start3A_54 : memref<2000xf32, #tpu.memory_space<hbm>>) target(%arg13 : memref<2000xf32, #tpu.memory_space<vmem>>) target_semaphore(%run_scoped3A : memref<!tpu.dma_semaphore, #tpu.memory_space<semaphore_mem>>)
        %dma_wait3A_55 = tpu.memref_slice %arg6[%add3A_30] : memref<6400000xf32, #tpu.memory_space<hbm>> -> memref<2000xf32, #tpu.memory_space<hbm>>
        %dma_wait3A_56 = tpu.memref_slice %arg6[%add3A_30] : memref<6400000xf32, #tpu.memory_space<hbm>> -> memref<2000xf32, #tpu.memory_space<hbm>>
        tpu.wait_dma2 semaphore(%run_scoped3A : memref<!tpu.dma_semaphore, #tpu.memory_space<semaphore_mem>>) src(%dma_wait3A_56 : memref<2000xf32, #tpu.memory_space<hbm>>) dst(%arg13 : memref<2000xf32, #tpu.memory_space<vmem>>)
        tpu.yield
      }) : () -> ()
      "tpu.region"() ({
        %run_scoped3A = tpu.sem_alloc : memref<!tpu.dma_semaphore, #tpu.memory_space<semaphore_mem>>
        %dma_start3A_53 = tpu.memref_slice %arg7[%add3A_30] : memref<6400000xf32, #tpu.memory_space<hbm>> -> memref<2000xf32, #tpu.memory_space<hbm>>
        %dma_start3A_54 = tpu.memref_slice %arg7[%add3A_30] : memref<6400000xf32, #tpu.memory_space<hbm>> -> memref<2000xf32, #tpu.memory_space<hbm>>
        tpu.enqueue_dma source(%dma_start3A_54 : memref<2000xf32, #tpu.memory_space<hbm>>) target(%arg14 : memref<2000xf32, #tpu.memory_space<vmem>>) target_semaphore(%run_scoped3A : memref<!tpu.dma_semaphore, #tpu.memory_space<semaphore_mem>>)
        %dma_wait3A_55 = tpu.memref_slice %arg7[%add3A_30] : memref<6400000xf32, #tpu.memory_space<hbm>> -> memref<2000xf32, #tpu.memory_space<hbm>>
        %dma_wait3A_56 = tpu.memref_slice %arg7[%add3A_30] : memref<6400000xf32, #tpu.memory_space<hbm>> -> memref<2000xf32, #tpu.memory_space<hbm>>
        tpu.wait_dma2 semaphore(%run_scoped3A : memref<!tpu.dma_semaphore, #tpu.memory_space<semaphore_mem>>) src(%dma_wait3A_56 : memref<2000xf32, #tpu.memory_space<hbm>>) dst(%arg14 : memref<2000xf32, #tpu.memory_space<vmem>>)
        tpu.yield
      }) : () -> ()
      "tpu.region"() ({
        %run_scoped3A = tpu.sem_alloc : memref<!tpu.dma_semaphore, #tpu.memory_space<semaphore_mem>>
        %dma_start3A_53 = tpu.memref_slice %arg8[%add3A_30] : memref<6400000xf32, #tpu.memory_space<hbm>> -> memref<2000xf32, #tpu.memory_space<hbm>>
        %dma_start3A_54 = tpu.memref_slice %arg8[%add3A_30] : memref<6400000xf32, #tpu.memory_space<hbm>> -> memref<2000xf32, #tpu.memory_space<hbm>>
        tpu.enqueue_dma source(%dma_start3A_54 : memref<2000xf32, #tpu.memory_space<hbm>>) target(%arg15 : memref<2000xf32, #tpu.memory_space<vmem>>) target_semaphore(%run_scoped3A : memref<!tpu.dma_semaphore, #tpu.memory_space<semaphore_mem>>)
        %dma_wait3A_55 = tpu.memref_slice %arg8[%add3A_30] : memref<6400000xf32, #tpu.memory_space<hbm>> -> memref<2000xf32, #tpu.memory_space<hbm>>
        %dma_wait3A_56 = tpu.memref_slice %arg8[%add3A_30] : memref<6400000xf32, #tpu.memory_space<hbm>> -> memref<2000xf32, #tpu.memory_space<hbm>>
        tpu.wait_dma2 semaphore(%run_scoped3A : memref<!tpu.dma_semaphore, #tpu.memory_space<semaphore_mem>>) src(%dma_wait3A_56 : memref<2000xf32, #tpu.memory_space<hbm>>) dst(%arg15 : memref<2000xf32, #tpu.memory_space<vmem>>)
        tpu.yield
      }) : () -> ()
      %dma_start3A = arith.constant 0 : i32
      %dma_start3A_31 = tpu.memref_slice %arg2[%dma_start3A] : memref<100000xf32, #tpu.memory_space<hbm>> -> memref<100000xf32, #tpu.memory_space<hbm>>
      tpu.enqueue_indirect_dma source(%dma_start3A_31 : memref<100000xf32, #tpu.memory_space<hbm>>) target(%arg16 : memref<2000xf32, #tpu.memory_space<vmem>>) offsets(%arg11 : memref<2000xi32, #tpu.memory_space<vmem>>) semaphore(%arg25 : memref<!tpu.dma_semaphore, #tpu.memory_space<semaphore_mem>>)
      %dma_wait3A = arith.constant 0 : i32
      %dma_wait3A_32 = tpu.memref_slice %arg2[%dma_wait3A] : memref<100000xf32, #tpu.memory_space<hbm>> -> memref<100000xf32, #tpu.memory_space<hbm>>
      tpu.wait_indirect_dma semaphore(%arg25 : memref<!tpu.dma_semaphore, #tpu.memory_space<semaphore_mem>>) src(%dma_wait3A_32 : memref<100000xf32, #tpu.memory_space<hbm>>) dst(%arg16 : memref<2000xf32, #tpu.memory_space<vmem>>)
      %dma_start3A_33 = arith.constant 0 : i32
      %dma_start3A_34 = tpu.memref_slice %arg2[%dma_start3A_33] : memref<100000xf32, #tpu.memory_space<hbm>> -> memref<100000xf32, #tpu.memory_space<hbm>>
      tpu.enqueue_indirect_dma source(%dma_start3A_34 : memref<100000xf32, #tpu.memory_space<hbm>>) target(%arg17 : memref<2000xf32, #tpu.memory_space<vmem>>) offsets(%arg12 : memref<2000xi32, #tpu.memory_space<vmem>>) semaphore(%arg25 : memref<!tpu.dma_semaphore, #tpu.memory_space<semaphore_mem>>)
      %dma_wait3A_35 = arith.constant 0 : i32
      %dma_wait3A_36 = tpu.memref_slice %arg2[%dma_wait3A_35] : memref<100000xf32, #tpu.memory_space<hbm>> -> memref<100000xf32, #tpu.memory_space<hbm>>
      tpu.wait_indirect_dma semaphore(%arg25 : memref<!tpu.dma_semaphore, #tpu.memory_space<semaphore_mem>>) src(%dma_wait3A_36 : memref<100000xf32, #tpu.memory_space<hbm>>) dst(%arg17 : memref<2000xf32, #tpu.memory_space<vmem>>)
      %dma_start3A_37 = arith.constant 0 : i32
      %dma_start3A_38 = tpu.memref_slice %arg3[%dma_start3A_37] : memref<100000xf32, #tpu.memory_space<hbm>> -> memref<100000xf32, #tpu.memory_space<hbm>>
      tpu.enqueue_indirect_dma source(%dma_start3A_38 : memref<100000xf32, #tpu.memory_space<hbm>>) target(%arg18 : memref<2000xf32, #tpu.memory_space<vmem>>) offsets(%arg11 : memref<2000xi32, #tpu.memory_space<vmem>>) semaphore(%arg25 : memref<!tpu.dma_semaphore, #tpu.memory_space<semaphore_mem>>)
      %dma_wait3A_39 = arith.constant 0 : i32
      %dma_wait3A_40 = tpu.memref_slice %arg3[%dma_wait3A_39] : memref<100000xf32, #tpu.memory_space<hbm>> -> memref<100000xf32, #tpu.memory_space<hbm>>
      tpu.wait_indirect_dma semaphore(%arg25 : memref<!tpu.dma_semaphore, #tpu.memory_space<semaphore_mem>>) src(%dma_wait3A_40 : memref<100000xf32, #tpu.memory_space<hbm>>) dst(%arg18 : memref<2000xf32, #tpu.memory_space<vmem>>)
      %dma_start3A_41 = arith.constant 0 : i32
      %dma_start3A_42 = tpu.memref_slice %arg3[%dma_start3A_41] : memref<100000xf32, #tpu.memory_space<hbm>> -> memref<100000xf32, #tpu.memory_space<hbm>>
      tpu.enqueue_indirect_dma source(%dma_start3A_42 : memref<100000xf32, #tpu.memory_space<hbm>>) target(%arg19 : memref<2000xf32, #tpu.memory_space<vmem>>) offsets(%arg12 : memref<2000xi32, #tpu.memory_space<vmem>>) semaphore(%arg25 : memref<!tpu.dma_semaphore, #tpu.memory_space<semaphore_mem>>)
      %dma_wait3A_43 = arith.constant 0 : i32
      %dma_wait3A_44 = tpu.memref_slice %arg3[%dma_wait3A_43] : memref<100000xf32, #tpu.memory_space<hbm>> -> memref<100000xf32, #tpu.memory_space<hbm>>
      tpu.wait_indirect_dma semaphore(%arg25 : memref<!tpu.dma_semaphore, #tpu.memory_space<semaphore_mem>>) src(%dma_wait3A_44 : memref<100000xf32, #tpu.memory_space<hbm>>) dst(%arg19 : memref<2000xf32, #tpu.memory_space<vmem>>)
      %scan3A_45 = arith.constant 0 : i32
      %scan3A_46 = arith.constant 0 : i32
      %scan3A_47 = arith.constant 125 : i32
      %scan3A_48 = arith.addi %scan3A_46, %scan3A_47 : i32
      %scan3A_49 = arith.constant 1 : i32
      %scan3A_50 = scf.for %scan3A_53 = %scan3A_46 to %scan3A_48 step %scan3A_49 iter_args(%scan3A_54 = %scan3A_45) -> (i32)  : i32 {
        %mul3A_55 = arith.constant 16 : i32
        %mul3A_56 = arith.muli %scan3A_53, %mul3A_55 : i32
        %get3A = arith.index_cast %mul3A_56 : i32 to index
        %get3A_57 = tpu.vector_load %arg16[%get3A] {strides = array<i32>} : memref<2000xf32, #tpu.memory_space<vmem>>, vector<16xf32>,
        %get3A_58 = vector.shape_cast %get3A_57 : vector<16xf32> to vector<16xf32>
        %get3A_59 = arith.index_cast %mul3A_56 : i32 to index
        %get3A_60 = tpu.vector_load %arg17[%get3A_59] {strides = array<i32>} : memref<2000xf32, #tpu.memory_space<vmem>>, vector<16xf32>,
        %get3A_61 = vector.shape_cast %get3A_60 : vector<16xf32> to vector<16xf32>
        %sub3A = arith.subf %get3A_58, %get3A_61 : vector<16xf32>
        %max3A = arith.constant 0.000000e+00 : f32
        %max3A_62 = vector.broadcast %max3A : f32 to vector<16xf32>
        %max3A_63 = arith.maximumf %sub3A, %max3A_62 : vector<16xf32>
        %get3A_64 = arith.index_cast %mul3A_56 : i32 to index
        %get3A_65 = tpu.vector_load %arg13[%get3A_64] {strides = array<i32>} : memref<2000xf32, #tpu.memory_space<vmem>>, vector<16xf32>,
        %get3A_66 = vector.shape_cast %get3A_65 : vector<16xf32> to vector<16xf32>
        %div3A = arith.divf %max3A_63, %get3A_66 : vector<16xf32>
        %get3A_67 = arith.index_cast %mul3A_56 : i32 to index
        %get3A_68 = tpu.vector_load %arg14[%get3A_67] {strides = array<i32>} : memref<2000xf32, #tpu.memory_space<vmem>>, vector<16xf32>,
        %get3A_69 = vector.shape_cast %get3A_68 : vector<16xf32> to vector<16xf32>
        %mul3A_70 = arith.mulf %div3A, %get3A_69 : vector<16xf32>
        %gt3A = arith.constant 0.000000e+00 : f32
        %gt3A_71 = vector.broadcast %gt3A : f32 to vector<16xf32>
        %gt3A_72 = arith.cmpf ogt, %mul3A_70, %gt3A_71 : vector<16xf32>
        %jit3A = arith.constant 0.000000e+00 : f32
        %broadcast_in_dim3A = vector.broadcast %jit3A : f32 to vector<16xf32>
        %select_n3A = arith.select %gt3A_72, %mul3A_70, %broadcast_in_dim3A : vector<16xi1>, vector<16xf32>
        %bitcast_convert_type3A = tpu.bitcast %select_n3A : vector<16xf32> -> vector<16xi32>
        %div3A_73 = arith.constant 3 : i32
        %div3A_74 = vector.broadcast %div3A_73 : i32 to vector<16xi32>
        %div3A_75 = arith.divsi %bitcast_convert_type3A, %div3A_74 : vector<16xi32>
        %add3A_76 = arith.constant 710235477 : i32
        %add3A_77 = vector.broadcast %add3A_76 : i32 to vector<16xi32>
        %add3A_78 = arith.addi %div3A_75, %add3A_77 : vector<16xi32>
        %bitcast_convert_type3A_79 = tpu.bitcast %add3A_78 : vector<16xi32> -> vector<16xf32>
        %add3A_80 = arith.addf %bitcast_convert_type3A_79, %bitcast_convert_type3A_79 : vector<16xf32>
        %mul3A_81 = arith.mulf %bitcast_convert_type3A_79, %bitcast_convert_type3A_79 : vector<16xf32>
        %div3A_82 = arith.divf %select_n3A, %mul3A_81 : vector<16xf32>
        %add3A_83 = arith.addf %add3A_80, %div3A_82 : vector<16xf32>
        %mul3A_84 = arith.constant 0.333333343 : f32
        %mul3A_85 = vector.broadcast %mul3A_84 : f32 to vector<16xf32>
        %mul3A_86 = arith.mulf %add3A_83, %mul3A_85 : vector<16xf32>
        %add3A_87 = arith.addf %mul3A_86, %mul3A_86 : vector<16xf32>
        %mul3A_88 = arith.mulf %mul3A_86, %mul3A_86 : vector<16xf32>
        %div3A_89 = arith.divf %select_n3A, %mul3A_88 : vector<16xf32>
        %add3A_90 = arith.addf %add3A_87, %div3A_89 : vector<16xf32>
        %mul3A_91 = arith.constant 0.333333343 : f32
        %mul3A_92 = vector.broadcast %mul3A_91 : f32 to vector<16xf32>
        %mul3A_93 = arith.mulf %add3A_90, %mul3A_92 : vector<16xf32>
        %add3A_94 = arith.addf %mul3A_93, %mul3A_93 : vector<16xf32>
        %mul3A_95 = arith.mulf %mul3A_93, %mul3A_93 : vector<16xf32>
        %div3A_96 = arith.divf %select_n3A, %mul3A_95 : vector<16xf32>
        %add3A_97 = arith.addf %add3A_94, %div3A_96 : vector<16xf32>
        %mul3A_98 = arith.constant 0.333333343 : f32
        %mul3A_99 = vector.broadcast %mul3A_98 : f32 to vector<16xf32>
        %mul3A_100 = arith.mulf %add3A_97, %mul3A_99 : vector<16xf32>
        %get3A_101 = arith.index_cast %mul3A_56 : i32 to index
        %get3A_102 = tpu.vector_load %arg15[%get3A_101] {strides = array<i32>} : memref<2000xf32, #tpu.memory_space<vmem>>, vector<16xf32>,
        %get3A_103 = vector.shape_cast %get3A_102 : vector<16xf32> to vector<16xf32>
        %mul3A_104 = arith.mulf %mul3A_100, %get3A_103 : vector<16xf32>
        %get3A_105 = arith.constant 0 : index
        %get3A_106 = tpu.vector_load %arg22[%get3A_105] {strides = array<i32>} : memref<16xf32, #tpu.memory_space<vmem>>, vector<16xf32>,
        %get3A_107 = vector.shape_cast %get3A_106 : vector<16xf32> to vector<16xf32>
        %mul3A_108 = arith.mulf %mul3A_104, %get3A_107 : vector<16xf32>
        %get3A_109 = arith.index_cast %mul3A_56 : i32 to index
        %get3A_110 = tpu.vector_load %arg18[%get3A_109] {strides = array<i32>} : memref<2000xf32, #tpu.memory_space<vmem>>, vector<16xf32>,
        %get3A_111 = vector.shape_cast %get3A_110 : vector<16xf32> to vector<16xf32>
        %get3A_112 = arith.index_cast %mul3A_56 : i32 to index
        %get3A_113 = tpu.vector_load %arg19[%get3A_112] {strides = array<i32>} : memref<2000xf32, #tpu.memory_space<vmem>>, vector<16xf32>,
        %get3A_114 = vector.shape_cast %get3A_113 : vector<16xf32> to vector<16xf32>
        %mul3A_115 = arith.mulf %get3A_114, %get3A_111 : vector<16xf32>
        %add3A_116 = arith.addf %get3A_114, %get3A_111 : vector<16xf32>
        %div3A_117 = arith.divf %mul3A_115, %add3A_116 : vector<16xf32>
        %mul3A_118 = arith.mulf %max3A_63, %div3A_117 : vector<16xf32>
        %min3A = arith.minimumf %mul3A_108, %mul3A_118 : vector<16xf32>
        %gt3A_119 = arith.constant 0.000000e+00 : f32
        %gt3A_120 = vector.broadcast %gt3A_119 : f32 to vector<16xf32>
        %gt3A_121 = arith.cmpf ogt, %select_n3A, %gt3A_120 : vector<16xf32>
        %jit3A_122 = arith.constant 0.000000e+00 : f32
        %broadcast_in_dim3A_123 = vector.broadcast %jit3A_122 : f32 to vector<16xf32>
        %select_n3A_124 = arith.select %gt3A_121, %min3A, %broadcast_in_dim3A_123 : vector<16xi1>, vector<16xf32>
        %swap3A = arith.index_cast %mul3A_56 : i32 to index
        %swap3A_125 = tpu.vector_load %arg20[%swap3A] {strides = array<i32>} : memref<2000xf32, #tpu.memory_space<vmem>>, vector<16xf32>,
        %swap3A_126 = vector.shape_cast %swap3A_125 : vector<16xf32> to vector<16xf32>
        %swap3A_127 = vector.shape_cast %select_n3A_124 : vector<16xf32> to vector<16xf32>
        tpu.vector_store %arg20[%swap3A], %swap3A_127 {strides = array<i32>} : memref<2000xf32, #tpu.memory_space<vmem>>, vector<16xf32>,
        %neg3A = arith.constant 0.000000e+00 : f32
        %neg3A_128 = vector.broadcast %neg3A : f32 to vector<16xf32>
        %neg3A_129 = arith.subf %neg3A_128, %select_n3A_124 : vector<16xf32>
        %swap3A_130 = arith.index_cast %mul3A_56 : i32 to index
        %swap3A_131 = tpu.vector_load %arg21[%swap3A_130] {strides = array<i32>} : memref<2000xf32, #tpu.memory_space<vmem>>, vector<16xf32>,
        %swap3A_132 = vector.shape_cast %swap3A_131 : vector<16xf32> to vector<16xf32>
        %swap3A_133 = vector.shape_cast %neg3A_129 : vector<16xf32> to vector<16xf32>
        tpu.vector_store %arg21[%swap3A_130], %swap3A_133 {strides = array<i32>} : memref<2000xf32, #tpu.memory_space<vmem>>, vector<16xf32>,
        %scan3A_134 = arith.constant 0 : i32
        scf.yield %scan3A_134 : i32
      }
      %scan3A_51 = arith.constant 125 : i32
      "tpu.region"() ({
        %run_scoped3A = tpu.sem_alloc : memref<!tpu.dma_semaphore, #tpu.memory_space<semaphore_mem>>
        %dma_start3A_53 = arith.constant 0 : i32
        %dma_start3A_54 = tpu.memref_slice %arg24[%dma_start3A_53] : memref<100096xf32, #tpu.memory_space<vmem_shared>> -> memref<100096xf32, #tpu.memory_space<vmem_shared>>
        tpu.enqueue_indirect_dma source(%arg20 : memref<2000xf32, #tpu.memory_space<vmem>>) target(%dma_start3A_54 : memref<100096xf32, #tpu.memory_space<vmem_shared>>) offsets(%arg12 : memref<2000xi32, #tpu.memory_space<vmem>>) semaphore(%run_scoped3A : memref<!tpu.dma_semaphore, #tpu.memory_space<semaphore_mem>>) {add = true}
        %dma_wait3A_55 = arith.constant 0 : i32
        %dma_wait3A_56 = tpu.memref_slice %arg24[%dma_wait3A_55] : memref<100096xf32, #tpu.memory_space<vmem_shared>> -> memref<100096xf32, #tpu.memory_space<vmem_shared>>
        tpu.wait_indirect_dma semaphore(%run_scoped3A : memref<!tpu.dma_semaphore, #tpu.memory_space<semaphore_mem>>) src(%arg20 : memref<2000xf32, #tpu.memory_space<vmem>>) dst(%dma_wait3A_56 : memref<100096xf32, #tpu.memory_space<vmem_shared>>)
        tpu.yield
      }) : () -> ()
      "tpu.region"() ({
        %run_scoped3A = tpu.sem_alloc : memref<!tpu.dma_semaphore, #tpu.memory_space<semaphore_mem>>
        %dma_start3A_53 = arith.constant 0 : i32
        %dma_start3A_54 = tpu.memref_slice %arg24[%dma_start3A_53] : memref<100096xf32, #tpu.memory_space<vmem_shared>> -> memref<100096xf32, #tpu.memory_space<vmem_shared>>
        tpu.enqueue_indirect_dma source(%arg21 : memref<2000xf32, #tpu.memory_space<vmem>>) target(%dma_start3A_54 : memref<100096xf32, #tpu.memory_space<vmem_shared>>) offsets(%arg11 : memref<2000xi32, #tpu.memory_space<vmem>>) semaphore(%run_scoped3A : memref<!tpu.dma_semaphore, #tpu.memory_space<semaphore_mem>>) {add = true}
        %dma_wait3A_55 = arith.constant 0 : i32
        %dma_wait3A_56 = tpu.memref_slice %arg24[%dma_wait3A_55] : memref<100096xf32, #tpu.memory_space<vmem_shared>> -> memref<100096xf32, #tpu.memory_space<vmem_shared>>
        tpu.wait_indirect_dma semaphore(%run_scoped3A : memref<!tpu.dma_semaphore, #tpu.memory_space<semaphore_mem>>) src(%arg21 : memref<2000xf32, #tpu.memory_space<vmem>>) dst(%dma_wait3A_56 : memref<100096xf32, #tpu.memory_space<vmem_shared>>)
        tpu.yield
      }) : () -> ()
      %scan3A_52 = arith.constant 0 : i32
      scf.yield %scan3A_52 : i32
    }
    %scan3A_15 = arith.constant 100 : i32
    %barrier3A_16 = arith.constant 0 : index
    tpu.barrier barrier_id(%barrier3A_16)
    %mul3A_17 = arith.constant 6256 : i32
    %mul3A_18 = arith.muli %arg1, %mul3A_17 : i32
    "tpu.region"() ({
      %run_scoped3A = tpu.sem_alloc : memref<!tpu.dma_semaphore, #tpu.memory_space<semaphore_mem>>
      %dma_start3A = tpu.memref_slice %arg24[%mul3A_18] : memref<100096xf32, #tpu.memory_space<vmem_shared>> -> memref<6256xf32, #tpu.memory_space<vmem_shared>>
      %dma_start3A_24 = tpu.memref_slice %arg24[%mul3A_18] : memref<100096xf32, #tpu.memory_space<vmem_shared>> -> memref<6256xf32, #tpu.memory_space<vmem_shared>>
      tpu.enqueue_dma source(%dma_start3A_24 : memref<6256xf32, #tpu.memory_space<vmem_shared>>) target(%arg23 : memref<6256xf32, #tpu.memory_space<vmem>>) target_semaphore(%run_scoped3A : memref<!tpu.dma_semaphore, #tpu.memory_space<semaphore_mem>>)
      %dma_wait3A = tpu.memref_slice %arg24[%mul3A_18] : memref<100096xf32, #tpu.memory_space<vmem_shared>> -> memref<6256xf32, #tpu.memory_space<vmem_shared>>
      %dma_wait3A_25 = tpu.memref_slice %arg24[%mul3A_18] : memref<100096xf32, #tpu.memory_space<vmem_shared>> -> memref<6256xf32, #tpu.memory_space<vmem_shared>>
      tpu.wait_dma2 semaphore(%run_scoped3A : memref<!tpu.dma_semaphore, #tpu.memory_space<semaphore_mem>>) src(%dma_wait3A_25 : memref<6256xf32, #tpu.memory_space<vmem_shared>>) dst(%arg23 : memref<6256xf32, #tpu.memory_space<vmem>>)
      tpu.yield
    }) : () -> ()
    %mul3A_19 = arith.constant 100096 : i32
    %mul3A_20 = arith.muli %arg0, %mul3A_19 : i32
    %mul3A_21 = arith.constant 6256 : i32
    %mul3A_22 = arith.muli %arg1, %mul3A_21 : i32
    %add3A_23 = arith.addi %mul3A_20, %mul3A_22 : i32
    "tpu.region"() ({
      %run_scoped3A = tpu.sem_alloc : memref<!tpu.dma_semaphore, #tpu.memory_space<semaphore_mem>>
      %dma_start3A = tpu.memref_slice %arg10[%add3A_23] : memref<200192xf32, #tpu.memory_space<hbm>> -> memref<6256xf32, #tpu.memory_space<hbm>>
      %dma_start3A_24 = tpu.memref_slice %arg10[%add3A_23] : memref<200192xf32, #tpu.memory_space<hbm>> -> memref<6256xf32, #tpu.memory_space<hbm>>
      tpu.enqueue_dma source(%arg23 : memref<6256xf32, #tpu.memory_space<vmem>>) target(%dma_start3A_24 : memref<6256xf32, #tpu.memory_space<hbm>>) target_semaphore(%run_scoped3A : memref<!tpu.dma_semaphore, #tpu.memory_space<semaphore_mem>>)
      %dma_wait3A = tpu.memref_slice %arg10[%add3A_23] : memref<200192xf32, #tpu.memory_space<hbm>> -> memref<6256xf32, #tpu.memory_space<hbm>>
      %dma_wait3A_25 = tpu.memref_slice %arg10[%add3A_23] : memref<200192xf32, #tpu.memory_space<hbm>> -> memref<6256xf32, #tpu.memory_space<hbm>>
      tpu.wait_dma2 semaphore(%run_scoped3A : memref<!tpu.dma_semaphore, #tpu.memory_space<semaphore_mem>>) src(%arg23 : memref<6256xf32, #tpu.memory_space<vmem>>) dst(%dma_wait3A_25 : memref<6256xf32, #tpu.memory_space<hbm>>)
      tpu.yield
    }) : () -> ()
    return
  }
}

module attributes {stable_mosaic.version = 14 : i64} {
  func.func @_reduce_body(%arg0: memref<2x782x128xf32, #tpu.memory_space<vmem>>, %arg1: memref<782x128xf32, #tpu.memory_space<vmem>>) attributes {dimension_semantics = [], scalar_prefetch = 0 : i64, scratch_operands = 0 : i64, tpu.core_type = #tpu.core_type<tc>} {
    %get3A = arith.constant 0 : index
    %get3A_0 = arith.constant 0 : index
    %get3A_1 = arith.constant 0 : index
    %get3A_2 = vector.load %arg0[%get3A, %get3A_0, %get3A_1] : memref<2x782x128xf32, #tpu.memory_space<vmem>>, vector<1x782x128xf32>
    %get3A_3 = vector.shape_cast %get3A_2 : vector<1x782x128xf32> to vector<782x128xf32>
    %get3A_4 = arith.constant 1 : index
    %get3A_5 = arith.constant 0 : index
    %get3A_6 = arith.constant 0 : index
    %get3A_7 = vector.load %arg0[%get3A_4, %get3A_5, %get3A_6] : memref<2x782x128xf32, #tpu.memory_space<vmem>>, vector<1x782x128xf32>
    %get3A_8 = vector.shape_cast %get3A_7 : vector<1x782x128xf32> to vector<782x128xf32>
    %add3A = arith.addf %get3A_3, %get3A_8 : vector<782x128xf32>
    %swap3A = arith.constant 0 : index
    %swap3A_9 = arith.constant 0 : index
    %swap3A_10 = vector.load %arg1[%swap3A, %swap3A_9] : memref<782x128xf32, #tpu.memory_space<vmem>>, vector<782x128xf32>
    tpu.vector_store %arg1[%swap3A, %swap3A_9], %add3A {strides = array<i32>} : memref<782x128xf32, #tpu.memory_space<vmem>>, vector<782x128xf32>,
    return
  }
}

</mosaic_0001>

<sc_bundles>
// kernel: kernel.4.cloned.1.call-start
scs
__scs_entry_jumppad:
0x0: {  	(pc) =	sbr.rel $0x88, $3  }
0x1: {  	(tag) =	ssettag $0x0;
	lr =	simm.s32 $0x1  }
0x2: {  	[smem:$0x3F9A] =	sst lr;
	_ =	strace $0xD0000000  }
0x3: {  	_ = 	snop  }
0x4: {  	_ = 	snop  }
0x5: {  	_ = 	snop  }
0x6: {  	_ = 	snop  }
0x7: {  	_ = 	snop  }
__scs_overlays_trampoline_lowered:
0x8: {  	[smem:$0x3FA9] =	sst s0  }
0x9: {  	[smem:$0x3FAA] =	sst s1  }
0xa: {  	[smem:$0x3FAB] =	sst s2  }
0xb: {  	[smem:$0x3FAC] =	sst s3  }
0xc: {  	[smem:$0x3FAD] =	sst s4  }
0xd: {  	[smem:$0x3FAE] =	sst s5  }
0xe: {  	[smem:$0x3FAF] =	sst s6  }
0xf: {  	[smem:$0x3FB0] =	sst s7  }
0x10: {  	[smem:$0x3FB1] =	sst s8  }
0x11: {  	[smem:$0x3FB2] =	sst s9;
	s0 =	simm.s32 @!p0 $0x0  }
0x12: {  	s1 =	sld [smem:$0x3F98];
	s0 =	simm.s32 @p0 $0x1  }
0x13: {  	[smem:$0x3FB3] =	sst s0;
	s0 =	simm.s32 @!p1 $0x0  }
0x14: {  	s2 =	sld [smem:$0x3F97];
	s0 =	simm.s32 @p1 $0x1  }
0x15: {  	[smem:$0x3FB4] =	sst s0;
	s0 =	simm.s32 @!p2 $0x0  }
0x16: {  	s3 =	sld [smem:$0x3FDB];
	s0 =	simm.s32 @p2 $0x1  }
0x17: {  	s4 =	simm.s32 $0x1BF5;
	[smem:$0x3FB6] =	sst s0  }
0x18: {  	s0 =	sld [smem:$0x3F99];
	_ =	swait.ge [sflag:s4], $0x0  }
0x19: {  	s7 =	sld [smem:$0x3F9A]  }
0x1a: {  	s8 =	sadd.s32 $0xFFFFE003, lr  }
0x1b: {  	s9 =	sadd.s32 $0xFFFFFEF7, lr;
	s5 =	simm.s32 $0xFFFFFFFF;
	p2 =	slt.u32 s8, $0xFFFFF086  }
0x1c: {  	p1 =	slt.u32 s9, $0xF7A;
	s5 =	simm.s32 @!p2 $0x0  }
0x1d: {  	s5 =	simm.s32 @p1 $0x1;
	p0 =	seq.s32 s7, s2  }
0x1e: {  	s7 =	smul.u32 @!p0 $0xF7A, s2;
	p2 =	seq.s32 @!p0 s5, $0x0  }
0x1f: {  	s9 =	smul.u32 $0xF7A, s1;
	s8 =	simm.s32 @!p0 $0x1BF5;
	p2 =	por !p2, p0  }
0x20: {  	[sflag:s8] =	ssyncset.s32 @!p0 $0xFFFFF086;
	s6 =	sadd.s32 @!p0 s3, s7;
	s7 =	simm.s32 @!p0 $0x108  }
0x21: {  	s3 =	sadd.s32 s3, s9;
	s6 =	sadd.s32 @!p0 $0x88, s6;
	s7 =	simm.s32 @p2 $0x1082  }
0x22: {  	[simem:s7], [sflag:s8] =	dma.local @!p0 [hbm:s6], $0xF7A  }
0x23: {  	s9 =	sor.u32 $0xD0000000, s2;
	s6 =	simm.s32 $0x108;
	_ =	swait.ge @!p0 [sflag:s8], $0x0  }
0x24: {  	s3 =	sadd.s32 $0x88, s3;
	s6 =	simm.s32 @!p1 $0x1082;
	[sflag:s4] =	ssyncset.s32 $0xFFFFF086  }
0x25: {  	[simem:s6], [sflag:s4] =	dma.local [hbm:s3], $0xF7A  }
0x26: {  	[smem:$0x3F9A] =	sst s1;
	(tag) =	ssettag s2;
	_ =	strace s9  }
0x27: {  	s1 =	sld [smem:$0x3FAA]  }
0x28: {  	s2 =	sld [smem:$0x3FAB]  }
0x29: {  	s4 =	sld [smem:$0x3FAD]  }
0x2a: {  	p0 =	seq.s32 s5, $0x0;
	s5 =	sld [smem:$0x3FAE]  }
0x2b: {  	s6 =	sld [smem:$0x3FAF]  }
0x2c: {  	s7 =	sld [smem:$0x3FB0]  }
0x2d: {  	s3 =	simm.s32 $0x108;
	s8 =	sld [smem:$0x3FB1]  }
0x2e: {  	s3 =	simm.s32 @!p0 $0x1082;
	s9 =	sld [smem:$0x3FB2]  }
0x2f: {  	lr =	sadd.s32 s0, s3;
	s0 =	sld [smem:$0x3FA9]  }
0x30: {  	s3 =	sld [smem:$0x3FAC]  }
0x31: {  	[smem:$0x3FB5] =	sst s10  }
0x32: {  	s10 =	sld [smem:$0x3FB3];
	_ =	sdelay $0x3  }
0x33: {  	p0 =	seq.s32 s10, $0x1;
	s10 =	sld [smem:$0x3FB5];
	_ =	sdelay $0x3  }
0x34: {  	[smem:$0x3FB5] =	sst s10  }
0x35: {  	s10 =	sld [smem:$0x3FB4];
	_ =	sdelay $0x3  }
0x36: {  	p1 =	seq.s32 s10, $0x1;
	s10 =	sld [smem:$0x3FB5];
	_ =	sdelay $0x3  }
0x37: {  	[smem:$0x3FB5] =	sst s10  }
0x38: {  	s10 =	sld [smem:$0x3FB6]  }
0x39: {  	_ = 	snop;
	(pc) =	sbr.ind lr, $3  }
0x3a: {  	_ = 	snop  }
0x3b: {  	_ = 	snop  }
0x3c: {  	p2 =	seq.s32 s10, $0x1;
	s10 =	sld [smem:$0x3FB5]  }
0x3d: {  	_ =	shalt  }
0x3e: {  	_ =	shalt  }
0x3f: {  	_ =	shalt  }
0x40: {  	_ =	shalt  }
0x41: {  	_ =	shalt  }
0x42: {  	_ =	shalt  }
0x43: {  	_ =	shalt  }
0x44: {  	_ =	shalt  }
0x45: {  	_ =	shalt  }
0x46: {  	_ =	shalt  }
0x47: {  	_ =	shalt  }
0x48: {  	_ =	shalt  }
0x49: {  	_ =	shalt  }
0x4a: {  	_ =	shalt  }
0x4b: {  	_ =	shalt  }
0x4c: {  	_ =	shalt  }
0x4d: {  	_ =	shalt  }
0x4e: {  	_ =	shalt  }
0x4f: {  	_ =	shalt  }
0x50: {  	_ =	shalt  }
0x51: {  	_ =	shalt  }
0x52: {  	_ =	shalt  }
0x53: {  	_ =	shalt  }
0x54: {  	_ =	shalt  }
0x55: {  	_ =	shalt  }
0x56: {  	_ =	shalt  }
0x57: {  	_ =	shalt  }
0x58: {  	_ =	shalt  }
0x59: {  	_ =	shalt  }
0x5a: {  	_ =	shalt  }
0x5b: {  	_ =	shalt  }
0x5c: {  	_ =	shalt  }
0x5d: {  	_ =	shalt  }
0x5e: {  	_ =	shalt  }
0x5f: {  	_ =	shalt  }
0x60: {  	_ =	shalt  }
0x61: {  	_ =	shalt  }
0x62: {  	_ =	shalt  }
0x63: {  	_ =	shalt  }
0x64: {  	_ =	shalt  }
0x65: {  	_ =	shalt  }
0x66: {  	_ =	shalt  }
0x67: {  	_ =	shalt  }
0x68: {  	_ =	shalt  }
0x69: {  	_ =	shalt  }
0x6a: {  	_ =	shalt  }
0x6b: {  	_ =	shalt  }
0x6c: {  	_ =	shalt  }
0x6d: {  	_ =	shalt  }
0x6e: {  	_ =	shalt  }
0x6f: {  	_ =	shalt  }
0x70: {  	_ =	shalt  }
0x71: {  	_ =	shalt  }
0x72: {  	_ =	shalt  }
0x73: {  	_ =	shalt  }
0x74: {  	_ =	shalt  }
0x75: {  	_ =	shalt  }
0x76: {  	_ =	shalt  }
0x77: {  	_ =	shalt  }
0x78: {  	_ =	shalt  }
0x79: {  	_ =	shalt  }
0x7a: {  	_ =	shalt  }
0x7b: {  	_ =	shalt  }
0x7c: {  	_ =	shalt  }
0x7d: {  	_ =	shalt  }
0x7e: {  	_ =	shalt  }
0x7f: {  	_ =	shalt  }
0x80: {  	_ =	shalt  }
0x81: {  	_ =	shalt  }
0x82: {  	_ =	shalt  }
0x83: {  	_ =	shalt  }
0x84: {  	_ =	shalt  }
0x85: {  	_ =	shalt  }
0x86: {  	_ =	shalt  }
0x87: {  	_ =	shalt  }
.Lfunc_end0:
.L_simem_size_0:
called_computation_lowered:
.L_overlay_start_0:
0x88: {  	s2 =	sld [smem:$0x3FD9]  }
0x89: {  	s3 =	sld [smem:$0x3FFE];
	_ =	sdelay $0x1  }
0x8a: {  	s1 =	srdreg.scid  }
0x8b: {  	s0 =	sand.u32 $0x1, s1  }
0x8c: {  	s17 =	sshll.u32 s0, $0xA;
	s2 =	sadd.s32 s3, s2  }
0x8d: {  	s2 =	sadd.s32 s2, s17  }
0x8e: {  	[smem:$0x3FC1] =	sst s2  }
0x8f: {  	_ = 	snop  }
0x90: {  	s2 =	sld [smem:$0x3FC9]  }
0x91: {  	s18 =	sld [smem:$0x3FC8]  }
0x92: {  	s4 =	sld [smem:$0x3FC7]  }
0x93: {  	s5 =	sld [smem:$0x3FC6]  }
0x94: {  	s6 =	sld [smem:$0x3FC5];
	(tm) =	ssettm $0x1  }
0x95: {  	s7 =	sld [smem:$0x3FFB];
	_ =	sdelay $0x3  }
0x96: {  	_ =	strace s7  }
0x97: {  	s7 =	sld [smem:$0x3FFC];
	_ =	sdelay $0x3  }
0x98: {  	_ =	strace s7  }
0x99: {  	s7 =	sld [smem:$0x3FFD];
	_ =	sdelay $0x3  }
0x9a: {  	_ =	strace s7  }
0x9b: {  	_ =	strace $0x8FFFFFFF  }
0x9c: {  	s19 =	sld [smem:$0x3FDB];
	_ =	sdelay $0x1  }
0x9d: {  	s8 =	simm.s32 $_scs_section_size  }
0x9e: {  	s9 =	simm.s32 $_size__tile_overlayer_lowered;
	s10 =	simm.s32 $_tile_overlayer_lowered  }
0x9f: {  	s22 =	simm.s32 $0x1BFF;
	s21 =	sshll.u32 s10, $0x1;
	s7 =	sadd.s32 s8, s19  }
0xa0: {  	s11 =	simm.s32 $0x0;
	s20 =	sshll.u32 s9, $0x1;
	s9 =	sadd.s32 s21, s7  }
0xa1: {  	[timem:s11], [sflag:s22] =	dma.local [hbm:s9], s20  }
0xa2: {  	_ =	swait.ge [sflag:s22], s20  }
0xa3: {  	s8 =	ssub.s32 $0x0, s20;
	[sflag:s22] =	ssyncset.done $0x0  }
0xa4: {  	[sflag:s22] =	ssyncadd.s32 s8;
	_ =	sdelay $0x1  }
0xa5: {  	s23 =	simm.s32 $0x1B8B  }
0xa6: {  	_ =	swait.ge [sflag:s23], $0x1  }
0xa7: {  	[sflag:s23] =	ssyncset.done $0x0  }
0xa8: {  	s25 =	simm.s32 $0x1B8E;
	s24 =	sld [smem:$0x3FFE];
	[sflag:s23] =	ssyncadd.s32 $0xFFFFFFFF  }
0xa9: {  	s26 =	simm.s32 $execute0_lowered;
	[smem:$0x3FD2] =	sst s25  }
0xaa: {  	s9 =	sshll.u32 s26, $0x1;
	_ =	strace $0x80000046;
	[dreg:$0x1] =	wrdreg $0xFFFFFFFF  }
0xab: {  	s28 =	simm.s32 $_size_execute0_lowered;
	s7 =	sadd.s32 s7, s9;
	[dreg:$0x0] =	wrdreg $0x0  }
0xac: {  	s9 =	sshll.u32 s28, $0x1;
	[dreg:$0x2] =	wrdreg s7  }
0xad: {  	[dreg:$0x3] =	wrdreg s9  }
0xae: {  	[dreg:$0x4] =	wrdreg $0xC0  }
0xaf: {  	_ =	task [dreg:s11], $0x5FFFF  }
0xb0: {  	[dreg:$0x1] =	wrdreg $0xFFFFFFFF  }
0xb1: {  	[dreg:$0x0] =	wrdreg $0x60  }
0xb2: {  	[dreg:$0x2] =	wrdreg s2  }
0xb3: {  	[dreg:$0x3] =	wrdreg s18  }
0xb4: {  	[dreg:$0x4] =	wrdreg s24  }
0xb5: {  	[dreg:$0x5] =	wrdreg s4  }
0xb6: {  	[dreg:$0x6] =	wrdreg s5  }
0xb7: {  	[dreg:$0x7] =	wrdreg s6  }
0xb8: {  	[dreg:$0x8] =	wrdreg $0x71000  }
0xb9: {  	[dreg:$0x9] =	wrdreg $0x9  }
0xba: {  	_ =	task.clear_ibuf [dreg:s11], $0xAFFFF;
	_ =	strace $0x90000046  }
0xbb: {  	s29 =	simm.s32 $0x9;
	_ =	strace $0x80000048  }
0xbc: {  	_ =	swait.ge [sflag:s29], $0x1  }
0xbd: {  	[sflag:s29] =	ssyncadd.s32 $0xFFFFFFFF  }
0xbe: {  	_ =	strace $0x90000048  }
0xbf: {  	_ =	sfence  }
0xc0: {  	s30 =	sld [smem:$0x0];
	_ =	sdelay $0x2  }
0xc1: {  	s31 =	sshll.u32 s1, $0xD;
	s1 =	sshrl.u32 s1, $0x2  }
0xc2: {  	s3 =	sand.u32 $0x4000, s31;
	s1 =	sadd.s32 s1, s30  }
0xc3: {  	s0 =	sor.u32 s3, s0;
	s1 =	sshll.u32 s1, $0x11  }
0xc4: {  	s0 =	sor.u32 s1, s0  }
0xc5: {  	s0 =	sadd.s32 $0x8F2B, s0  }
0xc6: {  	[sflag:s0] =	ssyncadd.remote.s32 $0x1  }
0xc7: {  	_ =	sfence.sel $0xFFFF  }
0xc8: {  	[dreg:$0x0] =	wrdreg $0xFFFFFFFF;
	(pc) =	sbr.abs _section_cstart, $3  }
0xc9: {  	[dreg:$0x1] =	wrdreg $0xFFFFFFFF  }
0xca: {  	_ =	task.clear_ibuf [dreg:s11], $0x2FFFF;
	_ =	strace $0x9FFFFFFF  }
0xcb: {  	(tm) =	ssettm $0x7FFFFFFF  }
tec
execute0_lowered:
.L_overlay_start_1:
0x0: {  	(tag) =	ssettag $0x1  }
0x1: {  	s0 =	rddreg [dreg:$0x2]  }
0x2: {  	s6 =	rddreg [dreg:$0x6]  }
0x3: {  	s1 =	srdreg.scid;
	s5 =	stileid.u32;
	s3 =	simm.s32 $0x0  }
0x4: {  	s1 =	sand.u32 $0x1, s1;
	[smem:$0x7FF] =	sst s3;
	s4 =	sadd.s32 $0xC3C00, s0  }
0x5: {  	s26 =	sadd.s32 $0x600, s0;
	_ =	strace $0x80000047;
	[dreg:$0x17] =	wrdreg s4  }
0x6: {  	s2 =	smul.u32 $0x1870, s5;
	s28 =	sadd.s32 $0x187200, s0;
	[dreg:$0x18] =	wrdreg s26  }
0x7: {  	s25 =	smul.u32 $0x18700, s1;
	[dreg:$0x19] =	wrdreg s28  }
0x8: {  	s29 =	ssub.s32 $0x2, s1;
	s1 =	sshll.u32 s1, $0x4;
	s4 =	simm.s32 $0x2  }
0x9: {  	s30 =	sshrl.u32 s29, $0x1;
	s1 =	sor.u32 s5, s1;
	s3 =	sadd.s32 s2, s25  }
0xa: {  	v1 =	vimm.s32 $0xECA86420;
	v0 =	vimm.f32 $0.0e+00;
	vm0 =	vcmask $0xB08;
	s2 =	sadd.s32 s2, s6;
	s1 =	smul.u32 $0x30D40, s1;
	s3 =	sshrl.u32 s3, $0x3  }
0xb: {  	vm1 =	vcmask $0x1310;
	vm2 =	vcmask $0x1B18;
	vm3 =	vcmask $0x300;
	s5 =	simm.s32 $0x800;
	[dreg:$0x1a] =	wrdreg s2;
	s0 =	sadd.s32 s3, s0  }
0xc: {  	vm4 =	vcmask $0x2320;
	vm5 =	vcmask $0x2B28;
	v1 =	vunpack.c.l.s4.s8 v1;
	s3 =	ssub.s32 s29, s30;
	[dreg:$0x1b] =	wrdreg s1;
	s0 =	sadd.s32 $0x187400, s0  }
0xd: {  	vm6 =	vcmask $0x3330;
	v2 =	vlaneseq.u32;
	vm7 =	vcmask $0x3B38;
	s6 =	simm.s32 $0x7D0;
	s31 =	smax.u32 s3, $0x1;
	[dreg:$0x1c] =	wrdreg s0  }
0xe: {  	vm8 =	vmmov $0xff;
	v2 =	vmul.u32 $0x2, v2;
	v1 =	vunpack.c.0.s8.s32 v1;
	s1 =	simm.s32 $0x0;
	s3 =	simm.s32 $0x5880;
	[dreg:$0x1d] =	wrdreg s31  }
.LBB2_1:
0xf: {  	[dreg:$0x1e] =	wrdreg s1;
	s0 =	simm.s32 $0x40;
	s1 =	simm.s32 $0x0  }
.LBB2_2:
0x10: {  	p0 =	sne.s32 s0, $0x6180;
	[tilespmem:s1+$0x5880] =	vst v0;
	s1 =	smov.u32 s0;
	s0 =	sadd.s32 $0x40, s0  }
.Ltmp0:
0x11: {  	(pc) =	sbr.rel @p0 .LBB2_2-.Ltmp0, $2  }
0x12: {  	_ =	sdelay $0x2  }
0x13: {  	s1 =	sshra.s32 s1, $0x2  }
0x14: {  	[tilespmem:s1+$0x5880] =	vst v0  }
0x15: {  	[spmem:s2] =	stream.linear.scatter [tilespmem:s3], [sflag:$0x2], $0x1870, $0x38;
	[tilespmem:$0x8970] =	vst v63  }
0x16: {  	_ =	swait.ge [sflag:s4], $0x1870  }
0x17: {  	s30 =	simm.s32 $0x0;
	[sflag:s4] =	ssyncset.done $0x0  }
0x18: {  	s31 =	simm.s32 $0x5800;
	s0 =	rddreg [dreg:$0x19];
	[sflag:s4] =	ssyncadd.s32 $0xFFFFE790  }
0x19: {  	[tilespmem:s31], [sflag:$0x2] =	stream.linear.gather [hbm4b:s0+s30], $0x80, $0x38;
	[tilespmem:$0x8970] =	vst v63  }
0x1a: {  	_ =	swait.ge [sflag:s4], $0x80  }
0x1b: {  	[sflag:s4] =	ssyncset.done $0x0  }
0x1c: {  	[sflag:s4] =	ssyncadd.s32 $0xFFFFFF80  }
0x1d: {  	s0 =	simm.s32 $0x0;
	[bflag:$0x0] =	sbarrier.arrive $0xFFFF  }
.LBB2_4:
0x1e: {  	s2 =	smul.u32 $0x7D0, s0  }
0x1f: {  	s1 =	rddreg [dreg:$0x1b]  }
0x20: {  	[dreg:$0x1f] =	wrdreg s0;
	s0 =	sadd.s32 s1, s2  }
0x21: {  	s3 =	rddreg [dreg:$0x17];
	s0 =	sshrl.u32 s0, $0x3  }
0x22: {  	s1 =	sadd.s32 s3, s0;
	s3 =	simm.s32 $0x0  }
0x23: {  	[tilespmem:s3], [sflag:$0x2] =	stream.linear.gather [hbm4b:s1+s3], $0x7D0, $0x38;
	[tilespmem:$0x8970] =	vst v63  }
0x24: {  	_ =	swait.ge [sflag:s4], $0x7D0  }
0x25: {  	[sflag:s4] =	ssyncset.done $0x0;
	s7 =	rddreg [dreg:$0x18]  }
0x26: {  	[sflag:s4] =	ssyncadd.s32 $0xFFFFF830;
	s1 =	sadd.s32 s7, s0  }
0x27: {  	[tilespmem:s5], [sflag:$0x2] =	stream.linear.gather [hbm4b:s1+s3], $0x7D0, $0x38;
	[tilespmem:$0x8970] =	vst v63  }
0x28: {  	_ =	swait.ge [sflag:s4], $0x7D0  }
0x29: {  	[sflag:s4] =	ssyncset.done $0x0  }
0x2a: {  	[sflag:s4] =	ssyncadd.s32 $0xFFFFF830  }
0x2b: {  	s8 =	rddreg [dreg:$0x3]  }
0x2c: {  	s2 =	simm.s32 $0x1000;
	s1 =	sadd.s32 s8, s0  }
0x2d: {  	[tilespmem:s2], [sflag:$0x2] =	stream.linear.gather [hbm4b:s1+s3], $0x7D0, $0x38;
	[tilespmem:$0x8970] =	vst v63  }
0x2e: {  	_ =	swait.ge [sflag:s4], $0x7D0  }
0x2f: {  	[sflag:s4] =	ssyncset.done $0x0  }
0x30: {  	[sflag:s4] =	ssyncadd.s32 $0xFFFFF830  }
0x31: {  	s9 =	rddreg [dreg:$0x4]  }
0x32: {  	s10 =	simm.s32 $0x1800;
	s1 =	sadd.s32 s9, s0  }
0x33: {  	[tilespmem:s10], [sflag:$0x2] =	stream.linear.gather [hbm4b:s1+s3], $0x7D0, $0x38;
	[tilespmem:$0x8970] =	vst v63  }
0x34: {  	_ =	swait.ge [sflag:s4], $0x7D0  }
0x35: {  	[sflag:s4] =	ssyncset.done $0x0  }
0x36: {  	[sflag:s4] =	ssyncadd.s32 $0xFFFFF830  }
0x37: {  	s11 =	rddreg [dreg:$0x5]  }
0x38: {  	s12 =	simm.s32 $0x2000;
	s0 =	sadd.s32 s11, s0  }
0x39: {  	[tilespmem:s12], [sflag:$0x2] =	stream.linear.gather [hbm4b:s0+s3], $0x7D0, $0x38;
	[tilespmem:$0x8970] =	vst v63  }
0x3a: {  	_ =	swait.ge [sflag:s4], $0x7D0  }
0x3b: {  	[sflag:s4] =	ssyncset.done $0x0  }
0x3c: {  	[sflag:s4] =	ssyncadd.s32 $0xFFFFF830  }
0x3d: {  	s14 =	simm.s32 $0x2800;
	s15 =	simm.s32 $0x1;
	s13 =	rddreg [dreg:$0x0]  }
0x3e: {  	[tilespmem:s14], [sflag:$0x1] =	stream.indirect.gather [hbm4b:s13+s6], $0x1, s3, s6, $0xb8;
	[tilespmem:$0x8970] =	vst v63  }
0x3f: {  	_ =	swait.ge [sflag:s15], $0x7D0  }
0x40: {  	[sflag:s15] =	ssyncset.done $0x0  }
0x41: {  	s16 =	simm.s32 $0x3000;
	[sflag:s15] =	ssyncadd.s32 $0xFFFFF830  }
0x42: {  	[tilespmem:s16], [sflag:$0x1] =	stream.indirect.gather [hbm4b:s13+s6], $0x1, s5, s6, $0xb8;
	[tilespmem:$0x8970] =	vst v63  }
0x43: {  	_ =	swait.ge [sflag:s15], $0x7D0  }
0x44: {  	[sflag:s15] =	ssyncset.done $0x0  }
0x45: {  	[sflag:s15] =	ssyncadd.s32 $0xFFFFF830  }
0x46: {  	s18 =	simm.s32 $0x3800;
	s17 =	rddreg [dreg:$0x1]  }
0x47: {  	[tilespmem:s18], [sflag:$0x1] =	stream.indirect.gather [hbm4b:s17+s6], $0x1, s3, s6, $0xb8;
	[tilespmem:$0x8970] =	vst v63  }
0x48: {  	_ =	swait.ge [sflag:s15], $0x7D0  }
0x49: {  	[sflag:s15] =	ssyncset.done $0x0  }
0x4a: {  	s19 =	simm.s32 $0x4000;
	[sflag:s15] =	ssyncadd.s32 $0xFFFFF830  }
0x4b: {  	[tilespmem:s19], [sflag:$0x1] =	stream.indirect.gather [hbm4b:s17+s6], $0x1, s5, s6, $0xb8;
	[tilespmem:$0x8970] =	vst v63  }
0x4c: {  	_ =	swait.ge [sflag:s15], $0x7D0  }
0x4d: {  	[sflag:s15] =	ssyncset.done $0x0  }
0x4e: {  	s20 =	simm.s32 $0x0;
	[sflag:s15] =	ssyncadd.s32 $0xFFFFF830  }
0x4f: {  	v3 =	vld [tilespmem:s20+$0x1000];
	_ =	sdelay $0x3  }
0x50: {  	v4 =	vld [tilespmem:s20+$0x3000]  }
0x51: {  	(erf) = vrcp.f32 v3;
	v3 =	vld [tilespmem:s20+$0x2800];
	_ =	sdelay $0x4  }
0x52: {  	v3 =	vsub.f32 v3, v4;
	_ =	sdelay $0x1  }
0x53: {  	v4 =	vld [tilespmem:s20+$0x1800];
	_ =	sdelay $0x1  }
0x54: {  	v6 =	vmax.f32 v3, $0.0e+00;
	v3 =	vpop (erf)  }
0x55: {  	v3 =	vmul.f32 v3, v6;
	_ =	sdelay $0x1  }
0x56: {  	v3 =	vmul.f32 v3, v4;
	_ =	sdelay $0x1  }
0x57: {  	vm9 =	vgt.f32 v3, $0.0e+00  }
0x58: {  	v3 =	vnsel vm9, $0x0, v3  }
0x59: {  	(v2sf) =	vpush v3, $0x5  }
0x5a: {  	(v2sf) =	vpush v3, $0x7  }
0x5b: {  	(v2sf) =	vpush v3, $0xB  }
0x5c: {  	v7 =	vld [tilespmem:s20+$0x3800];
	(v2sf) =	vpush v3, $0xF  }
0x5d: {  	v9 =	vld [tilespmem:s20+$0x4000];
	(v2sf) =	vpush v3, $0xE  }
0x5e: {  	(v2sf) =	vpush v3, $0x4  }
0x5f: {  	s2 =	simm.s32 $0x10  }
0x60: {  	v4 =	vld [tilespmem:s2+$0x1000];
	(v2sf) =	vpush v3, $0xD  }
0x61: {  	(v2sf) =	vpush v3, $0x3  }
0x62: {  	v5 =	vadd.f32 v9, v7  }
0x63: {  	(v2sf) =	vpush v3, $0xC  }
0x64: {  	(erf) = vrcp.f32 v5;
	v5 =	vld [tilespmem:s2+$0x3000];
	(v2sf) =	vpush v3, $0x9  }
0x65: {  	(erf) = vrcp.f32 v4;
	v4 =	vld [tilespmem:s2+$0x2800];
	(v2sf) =	vpush v3, $0x8  }
0x66: {  	(v2sf) =	vpush v3, $0x2  }
0x67: {  	(v2sf) =	vpush v3, $0x6  }
0x68: {  	s12 =	spop (v2sf)  }
0x69: {  	s11 =	spop (v2sf)  }
0x6a: {  	v4 =	vsub.f32 v4, v5;
	s28 =	smulhi.u32 $0x55555556, s12;
	s9 =	spop (v2sf)  }
0x6b: {  	s23 =	sshra.s32 s11, $0x1F;
	s11 =	smulhi.u32 $0x55555556, s11;
	s3 =	spop (v2sf)  }
0x6c: {  	v5 =	vld [tilespmem:s2+$0x1800];
	s24 =	smul.u32 $0x55555556, s23;
	s22 =	spop (v2sf)  }
0x6d: {  	v10 =	vpop (erf);
	s5 =	spop (v2sf);
	s13 =	smulhi.u32 $0x55555556, s22  }
0x6e: {  	v8 =	vmax.f32 v4, $0.0e+00;
	v4 =	vpop (erf);
	(v2sf) =	vpush v3, $0xA;
	s4 =	sshra.s32 s22, $0x1F;
	s31 =	smulhi.u32 $0x55555556, s5  }
0x6f: {  	s21 =	simm.s32 $0x0;
	v4 =	vmul.f32 v4, v8;
	s7 =	spop (v2sf);
	s14 =	smul.u32 $0x55555556, s4  }
0x70: {  	s6 =	spop (v2sf);
	s1 =	smulhi.u32 $0x55555556, s7;
	s7 =	sshra.s32 s7, $0x1F  }
0x71: {  	[dreg:$0x9] =	wrdreg s21;
	v4 =	vmul.f32 v4, v5;
	(v2sf) =	vpush v3, $0x1;
	s8 =	sshra.s32 s6, $0x1F;
	s19 =	smul.u32 $0x55555556, s7  }
0x72: {  	s15 =	spop (v2sf);
	s25 =	smul.u32 $0x55555556, s8  }
0x73: {  	vm10 =	vgt.f32 v4, $0.0e+00;
	(v2sf) =	vpush v3, $0x0;
	s17 =	spop (v2sf);
	s21 =	smulhi.u32 $0x55555556, s15;
	s8 =	sshra.s32 s15, $0x1F  }
0x74: {  	v4 =	vnsel vm10, $0x0, v4;
	s10 =	spop (v2sf);
	s26 =	sshra.s32 s17, $0x1F;
	s22 =	smul.u32 $0x55555556, s8  }
0x75: {  	(v2sf) =	vpush v4, $0x5;
	s16 =	spop (v2sf);
	s7 =	smul.u32 $0x55555556, s26  }
0x76: {  	s20 =	smulhi.u32 $0x55555556, s16;
	s18 =	spop (v2sf)  }
0x77: {  	s16 =	sshra.s32 s16, $0x1F;
	s29 =	smulhi.u32 $0x55555556, s18  }
0x78: {  	(v2sf) =	vpush v4, $0x7;
	[smem:$0x7F2] =	sst s24;
	s24 =	sshra.s32 s12, $0x1F;
	s0 =	smul.u32 $0x55555556, s16  }
0x79: {  	(v2sf) =	vpush v4, $0xB;
	s5 =	sshra.s32 s5, $0x1F;
	s16 =	smul.u32 $0x55555556, s24  }
0x7a: {  	(v2sf) =	vpush v4, $0xF;
	[smem:$0x7F4] =	sst s25;
	s23 =	sshra.s32 s18, $0x1F;
	s18 =	smul.u32 $0x55555556, s5  }
0x7b: {  	(v2sf) =	vpush v4, $0xE;
	s26 =	sshra.s32 s9, $0x1F;
	[smem:$0x7F3] =	sst s7;
	s7 =	smulhi.u32 $0x55555556, s10  }
0x7c: {  	(v2sf) =	vpush v4, $0x4;
	s25 =	smul.u32 $0x55555556, s23;
	s23 =	sadd.s32 s14, s13;
	[smem:$0x7F7] =	sst s29  }
0x7d: {  	(v2sf) =	vpush v4, $0xD;
	s14 =	simm.s32 $0x10;
	s29 =	smul.u32 $0x55555556, s26;
	s24 =	spop (v2sf)  }
0x7e: {  	(v2sf) =	vpush v4, $0x3;
	[smem:$0x7F8] =	sst s25;
	s25 =	smulhi.u32 $0x55555556, s3;
	s5 =	sshra.s32 s24, $0x1F  }
0x7f: {  	[dreg:$0x8] =	wrdreg s14;
	s3 =	sshra.s32 s3, $0x1F;
	s8 =	smul.u32 $0x55555556, s5  }
0x80: {  	s15 =	spop (v2sf);
	s26 =	smul.u32 $0x55555556, s3  }
0x81: {  	s30 =	sadd.s32 s22, s21;
	(v2sf) =	vpush v4, $0xC;
	[smem:$0x7F9] =	sst s29;
	s29 =	smulhi.u32 $0x55555556, s17  }
0x82: {  	v12 =	vld [tilespmem:s2+$0x3800];
	s14 =	simm.s32 $0x20;
	(v2sf) =	vpush v4, $0x9;
	s17 =	smulhi.u32 $0x55555556, s24;
	s21 =	spop (v2sf)  }
0x83: {  	v13 =	vld [tilespmem:s2+$0x4000];
	s31 =	sadd.s32 s18, s31;
	s2 =	smulhi.u32 $0x55555556, s15;
	s24 =	sld [smem:$0x7F2]  }
0x84: {  	s5 =	sshra.s32 s10, $0x1F;
	s22 =	smulhi.u32 $0x55555556, s21;
	s13 =	spop (v2sf)  }
0x85: {  	s12 =	sshra.s32 s21, $0x1F;
	s5 =	smul.u32 $0x55555556, s5;
	[smem:$0x7F5] =	sst s8  }
0x86: {  	s3 =	sshra.s32 s15, $0x1F;
	[smem:$0x7F6] =	sst s17;
	s4 =	smul.u32 $0x55555556, s12  }
0x87: {  	v5 =	vld [tilespmem:s14+$0x1000];
	(v2sf) =	vpush v4, $0x8;
	s21 =	sadd.s32 s19, s1;
	s12 =	spop (v2sf);
	s8 =	smul.u32 $0x55555556, s3  }
0x88: {  	(v2sf) =	vpush v4, $0x2;
	s17 =	smulhi.u32 $0x55555556, s9;
	s15 =	spop (v2sf);
	s11 =	sadd.s32 s24, s11  }
0x89: {  	v11 =	vadd.f32 v13, v12;
	(v2sf) =	vpush v4, $0x6;
	s24 =	sadd.s32 s26, s25;
	s25 =	smulhi.u32 $0x55555556, s6;
	s19 =	spop (v2sf)  }
0x8a: {  	s4 =	sadd.s32 s4, s22;
	s22 =	sld [smem:$0x7F4];
	s26 =	spop (v2sf)  }
0x8b: {  	(erf) = vrcp.f32 v11;
	v11 =	vld [tilespmem:s14+$0x3000];
	s1 =	sshra.s32 s12, $0x1F;
	s12 =	smulhi.u32 $0x55555556, s12;
	s3 =	spop (v2sf)  }
0x8c: {  	(erf) = vrcp.f32 v5;
	v5 =	vld [tilespmem:s14+$0x2800];
	s10 =	smul.u32 $0x55555556, s1;
	s1 =	sadd.s32 s0, s20;
	s18 =	spop (v2sf)  }
0x8d: {  	s25 =	sadd.s32 s22, s25;
	s22 =	smulhi.u32 $0x55555556, s26;
	s9 =	spop (v2sf)  }
0x8e: {  	[smem:$0x7FB] =	sst s10;
	s20 =	smulhi.u32 $0x55555556, s18;
	s10 =	sshra.s32 s9, $0x1F  }
0x8f: {  	(v2sf) =	vpush v4, $0xA;
	s26 =	sshra.s32 s26, $0x1F;
	s6 =	sshra.s32 s18, $0x1F;
	s18 =	smul.u32 $0x55555556, s10  }
0x90: {  	s26 =	smul.u32 $0x55555556, s26;
	s0 =	spop (v2sf)  }
0x91: {  	v5 =	vsub.f32 v5, v11;
	[smem:$0x7FC] =	sst s18;
	s18 =	spop (v2sf)  }
0x92: {  	s28 =	sadd.s32 s16, s28;
	s16 =	smul.u32 $0x55555556, s6;
	s6 =	sshra.s32 s18, $0x1F  }
0x93: {  	v15 =	vld [tilespmem:s14+$0x1800];
	s2 =	sadd.s32 s8, s2;
	[smem:$0x7FA] =	sst s20;
	s6 =	smul.u32 $0x55555556, s6  }
0x94: {  	v14 =	vpop (erf);
	v16 =	vmov s30;
	v18 =	vmov s4;
	s4 =	sshrl.u32 s4, $0x1F;
	s20 =	sld [smem:$0x7F3];
	s10 =	smulhi.u32 $0x55555556, s0  }
0x95: {  	v16 =	vsel vm0, s21, v16;
	v11 =	vmax.f32 v5, $0.0e+00;
	v5 =	vpop (erf);
	s0 =	sshra.s32 s0, $0x1F;
	[smem:$0x7FD] =	sst s6;
	s6 =	sshrl.u32 s30, $0x1F  }
0x96: {  	v16 =	vsel vm1, s23, v16;
	v5 =	vmul.f32 v5, v11;
	s8 =	spop (v2sf);
	v17 =	vmov s6;
	s6 =	smul.u32 $0x55555556, s0;
	s0 =	sshrl.u32 s21, $0x1F  }
0x97: {  	(v2sf) =	vpush v4, $0x1;
	v18 =	vnsel vm3, $0x0, v18;
	s20 =	sadd.s32 s20, s29;
	s29 =	sshrl.u32 s23, $0x1F;
	s30 =	spop (v2sf);
	v17 =	vsel vm0, s0, v17  }
0x98: {  	s5 =	sadd.s32 s5, s7;
	v5 =	vmul.f32 v5, v15;
	s21 =	smulhi.u32 $0x55555556, s30;
	s0 =	spop (v2sf);
	v15 =	vsel vm1, s29, v17;
	v17 =	vmov s4  }
0x99: {  	(v2sf) =	vpush v4, $0x0;
	v18 =	vsel vm0, s2, v18;
	s2 =	sshrl.u32 s2, $0x1F;
	s30 =	sshra.s32 s30, $0x1F;
	s23 =	smulhi.u32 $0x55555556, s0;
	v17 =	vnsel vm3, $0x0, v17  }
0x9a: {  	v18 =	vsel vm1, s1, v18;
	s1 =	sshrl.u32 s1, $0x1F;
	s7 =	sshrl.u32 s25, $0x1F;
	s29 =	smul.u32 $0x55555556, s30;
	v17 =	vsel vm0, s2, v17  }
0x9b: {  	v18 =	vsel vm2, s25, v18;
	s25 =	sshrl.u32 s5, $0x1F;
	s0 =	sshra.s32 s0, $0x1F;
	s4 =	smulhi.u32 $0x55555556, s3;
	v17 =	vsel vm1, s1, v17  }
0x9c: {  	v20 =	vmov s25;
	s25 =	sld [smem:$0x7F6];
	s30 =	smul.u32 $0x55555556, s0;
	s0 =	sshrl.u32 s31, $0x1F;
	v17 =	vsel vm2, s7, v17  }
0x9d: {  	v21 =	vsel vm2, s24, v16;
	s2 =	sshra.s32 s13, $0x1F;
	v17 =	vsel vm4, s0, v17;
	s0 =	sshrl.u32 s24, $0x1F;
	s24 =	sld [smem:$0x7F5]  }
0x9e: {  	v19 =	vmov s5;
	vm11 =	vgt.f32 v5, $0.0e+00;
	s3 =	sshra.s32 s3, $0x1F;
	s5 =	spop (v2sf);
	s2 =	smul.u32 $0x55555556, s2  }
0x9f: {  	v19 =	vsel vm0, s20, v19;
	v5 =	vnsel vm11, $0x0, v5;
	s1 =	smul.u32 $0x55555556, s3;
	s3 =	sshrl.u32 s20, $0x1F;
	s20 =	sshra.s32 s5, $0x1F  }
0xa0: {  	(v2sf) =	vpush v5, $0x5;
	s25 =	sadd.s32 s24, s25;
	s24 =	smul.u32 $0x55555556, s20;
	s20 =	sld [smem:$0x7F7]  }
0xa1: {  	(v2sf) =	vpush v5, $0x7;
	s7 =	sshra.s32 s15, $0x1F;
	v16 =	vsel vm0, s3, v20;
	v19 =	vsel vm1, s25, v19;
	s3 =	sshrl.u32 s25, $0x1F;
	s25 =	sld [smem:$0x7F8]  }
0xa2: {  	v18 =	vsel vm4, s31, v18;
	s31 =	smul.u32 $0x55555556, s7  }
0xa3: {  	(v2sf) =	vpush v5, $0xB;
	s7 =	smulhi.u32 $0x55555556, s19;
	v15 =	vsel vm2, s0, v15;
	s0 =	sshra.s32 s19, $0x1F  }
0xa4: {  	s0 =	smul.u32 $0x55555556, s0;
	s20 =	sadd.s32 s25, s20;
	s25 =	sld [smem:$0x7F9]  }
0xa5: {  	(v2sf) =	vpush v5, $0xF;
	v16 =	vsel vm1, s3, v16;
	s3 =	smulhi.u32 $0x55555556, s13  }
0xa6: {  	v18 =	vsel vm5, s28, v18;
	(v2sf) =	vpush v5, $0xE;
	s19 =	sshrl.u32 s28, $0x1F;
	s13 =	smulhi.u32 $0x55555556, s18;
	s18 =	spop (v2sf)  }
0xa7: {  	(v2sf) =	vpush v5, $0x4;
	v18 =	vsel vm6, s20, v18;
	s17 =	sadd.s32 s25, s17;
	s25 =	sshrl.u32 s20, $0x1F;
	s20 =	sld [smem:$0x7FA]  }
0xa8: {  	(v2sf) =	vpush v5, $0xD;
	v17 =	vsel vm5, s19, v17;
	v19 =	vsel vm2, s17, v19;
	s19 =	sshrl.u32 s17, $0x1F;
	s17 =	sadd.s32 s26, s22;
	s26 =	spop (v2sf)  }
0xa9: {  	(v2sf) =	vpush v5, $0x3;
	v18 =	vsel vm7, s11, v18;
	s11 =	sshrl.u32 s11, $0x1F;
	v17 =	vsel vm6, s25, v17;
	s22 =	sld [smem:$0x7FB];
	s25 =	smulhi.u32 $0x55555556, s18  }
0xaa: {  	v20 =	vsel vm2, s19, v16;
	v22 =	vsel vm7, s11, v17;
	v16 =	vld [tilespmem:s14+$0x3800];
	s11 =	smulhi.u32 $0x55555556, s5;
	s19 =	sadd.s32 s6, s10;
	s10 =	simm.s32 $0x20  }
0xab: {  	v19 =	vcombine.low v19, v21;
	v17 =	vld [tilespmem:s14+$0x4000];
	s6 =	smulhi.u32 $0x55555556, s26;
	s5 =	sshra.s32 s26, $0x1F;
	s14 =	sadd.s32 s1, s4;
	v15 =	vcombine.low v20, v15  }
0xac: {  	(v2sf) =	vpush v5, $0xC;
	v18 =	vperm.xlane v18, v2;
	s1 =	sadd.s32 s0, s7;
	s0 =	sadd.s32 s30, s23;
	s23 =	sld [smem:$0x7FC];
	v20 =	vperm.xlane v22, v2  }
0xad: {  	s7 =	sadd.s32 s29, s21;
	s26 =	simm.s32 $0x30;
	[dreg:$0xa] =	wrdreg s10;
	v19 =	vperm.xlane v19, v1;
	v15 =	vperm.xlane v15, v1  }
0xae: {  	(v2sf) =	vpush v5, $0x9;
	s16 =	sadd.s32 s16, s20;
	s4 =	smul.u32 $0x55555556, s5;
	s20 =	sshra.s32 s18, $0x1F  }
0xaf: {  	s18 =	sadd.s32 s2, s3;
	s5 =	spop (v2sf);
	s21 =	smul.u32 $0x55555556, s20;
	v18 =	vsel vm8, v18, v19;
	v15 =	vsel vm8, v20, v15  }
0xb0: {  	s10 =	sadd.s32 s22, s12;
	s22 =	smulhi.u32 $0x55555556, s9;
	s9 =	spop (v2sf);
	v15 =	vadd.s32 v15, v18  }
0xb1: {  	(v2sf) =	vpush v5, $0x8;
	s12 =	smulhi.u32 $0x55555556, s15;
	s11 =	sadd.s32 s24, s11;
	s4 =	sadd.s32 s4, s6;
	v18 =	vadd.f32 v17, v16;
	v15 =	vadd.s32 $0x2A555555, v15  }
0xb2: {  	(v2sf) =	vpush v5, $0x2;
	s3 =	spop (v2sf);
	s20 =	sadd.s32 s21, s25;
	s21 =	sadd.s32 s23, s22;
	v19 =	vmul.f32 v15, v15  }
0xb3: {  	(v2sf) =	vpush v5, $0x6;
	s25 =	sshrl.u32 s19, $0x1F;
	s22 =	sshrl.u32 s16, $0x1F;
	s29 =	sshrl.u32 s4, $0x1F;
	v21 =	vmov s4;
	v20 =	vld [tilespmem:s26+$0x1000];
	(erf) = vrcp.f32 v18  }
0xb4: {  	s6 =	spop (v2sf);
	s23 =	smulhi.u32 $0x55555556, s8;
	s4 =	sshra.s32 s9, $0x1F;
	v21 =	vnsel vm3, $0x0, v21;
	(erf) = vrcp.f32 v19  }
0xb5: {  	s8 =	sshra.s32 s8, $0x1F;
	s2 =	smul.u32 $0x55555556, s4;
	v21 =	vsel vm0, s20, v21;
	v18 =	vmov s19;
	s19 =	spop (v2sf)  }
0xb6: {  	v22 =	vmov s29;
	s29 =	sshrl.u32 s17, $0x1F;
	v21 =	vsel vm1, s7, v21;
	s7 =	sshrl.u32 s7, $0x1F;
	s15 =	spop (v2sf)  }
0xb7: {  	v23 =	vld [tilespmem:s26+$0x2800];
	v22 =	vnsel vm3, $0x0, v22;
	v18 =	vsel vm0, s16, v18;
	s16 =	sshrl.u32 s20, $0x1F;
	s20 =	smul.u32 $0x55555556, s8;
	v19 =	vmov s25;
	s25 =	spop (v2sf)  }
0xb8: {  	v18 =	vsel vm1, s17, v18;
	s17 =	sshrl.u32 s21, $0x1F;
	(erf) = vrcp.f32 v20;
	v20 =	vsel vm0, s16, v22;
	v22 =	vld [tilespmem:s26+$0x3000];
	s4 =	spop (v2sf);
	s16 =	smulhi.u32 $0x55555556, s25  }
0xb9: {  	v7 =	vmul.f32 v9, v7;
	v21 =	vsel vm2, s21, v21;
	v19 =	vsel vm0, s22, v19;
	s22 =	sshrl.u32 s14, $0x1F;
	s21 =	sshra.s32 s4, $0x1F;
	s4 =	smulhi.u32 $0x55555556, s4  }
0xba: {  	v25 =	vadd.f32 v15, v15;
	s20 =	sadd.s32 s20, s23;
	v20 =	vsel vm1, s7, v20;
	v19 =	vsel vm1, s29, v19;
	s29 =	sshra.s32 s25, $0x1F;
	s8 =	smul.u32 $0x55555556, s21  }
0xbb: {  	v21 =	vsel vm4, s14, v21;
	v18 =	vsel vm2, s1, v18;
	s25 =	spop (v2sf);
	v20 =	vsel vm2, s17, v20;
	s17 =	sshrl.u32 s1, $0x1F;
	s1 =	smulhi.u32 $0x55555556, s19  }
0xbc: {  	v21 =	vsel vm5, s18, v21;
	(v2sf) =	vpush v5, $0xA;
	s21 =	sld [smem:$0x7FD];
	v20 =	vsel vm4, s22, v20;
	s22 =	sshrl.u32 s18, $0x1F;
	s18 =	smul.u32 $0x55555556, s29;
	v24 =	vpop (erf)  }
0xbd: {  	v15 =	vmov s20;
	s14 =	spop (v2sf);
	v20 =	vsel vm5, s22, v20;
	s22 =	sshrl.u32 s20, $0x1F;
	s20 =	smulhi.u32 $0x55555556, s25;
	v22 =	vsub.f32 v23, v22;
	v23 =	vpop (erf)  }
0xbe: {  	v21 =	vsel vm6, s0, v21;
	s0 =	sshrl.u32 s0, $0x1F;
	(v2sf) =	vpush v5, $0x1;
	s29 =	sshra.s32 s14, $0x1F;
	s14 =	smulhi.u32 $0x55555556, s14;
	v23 =	vmul.f32 v23, v3  }
0xbf: {  	s19 =	sshra.s32 s19, $0x1F;
	v19 =	vsel vm2, s17, v19;
	s17 =	sshra.s32 s25, $0x1F;
	v20 =	vsel vm6, s0, v20;
	s0 =	smul.u32 $0x55555556, s29  }
0xc0: {  	v7 =	vmul.f32 v10, v7;
	v26 =	vld [tilespmem:s26+$0x1800];
	s7 =	sadd.s32 s21, s13;
	s21 =	smul.u32 $0x55555556, s19;
	s13 =	spop (v2sf)  }
0xc1: {  	v10 =	vmul.f32 v13, v12;
	s24 =	sshrl.u32 s11, $0x1F;
	v27 =	vmov s22;
	s22 =	smul.u32 $0x55555556, s17;
	v9 =	vsel vm0, s7, v15;
	s23 =	spop (v2sf)  }
0xc2: {  	s7 =	sshrl.u32 s7, $0x1F;
	v15 =	vmax.f32 v22, $0.0e+00;
	v9 =	vsel vm1, s11, v9;
	s11 =	smulhi.u32 $0x55555556, s23;
	s25 =	spop (v2sf);
	v22 =	vadd.f32 v23, v25;
	v23 =	vpop (erf)  }
0xc3: {  	(v2sf) =	vpush v5, $0x0;
	v63 =	vsel vm0, s7, v27;
	s29 =	sshra.s32 s23, $0x1F;
	s7 =	smulhi.u32 $0x55555556, s25;
	v23 =	vmul.f32 v23, v15  }
0xc4: {  	v10 =	vmul.f32 v14, v10;
	s19 =	smul.u32 $0x55555556, s29  }
0xc5: {  	vm9 =	vmmov vm9;
	s17 =	sshra.s32 s25, $0x1F;
	s25 =	sadd.s32 s31, s12;
	s12 =	smulhi.u32 $0x55555556, s15;
	v12 =	vmul.f32 v23, v26  }
0xc6: {  	v7 =	vmul.f32 v7, v6;
	vm9 =	vmmov vm9;
	v6 =	vmul.f32 v10, v8;
	s15 =	sshra.s32 s15, $0x1F;
	s17 =	smul.u32 $0x55555556, s17  }
0xc7: {  	v13 =	vsel vm7, s10, v21;
	s10 =	sshrl.u32 s10, $0x1F;
	s15 =	smul.u32 $0x55555556, s15;
	v21 =	vmul.f32 $3.333333430e-01, v22;
	vm13 =	vgt.f32 v12, $0.0e+00  }
0xc8: {  	v20 =	vsel vm7, s10, v20;
	v9 =	vsel vm2, s25, v9;
	s10 =	sshrl.u32 s25, $0x1F;
	s25 =	sshra.s32 s3, $0x1F;
	s3 =	smulhi.u32 $0x55555556, s3;
	v8 =	vnsel vm13, $0x0, v12  }
0xc9: {  	v22 =	vsel vm1, s24, v63;
	s24 =	sshra.s32 s5, $0x1F;
	s5 =	smulhi.u32 $0x55555556, s5;
	v14 =	vmul.f32 v21, v21;
	(v2sf) =	vpush v8, $0x5  }
0xca: {  	vm12 =	vmmov vm10;
	v10 =	vmul.f32 v17, v16;
	v16 =	vld [tilespmem:s26+$0x3800];
	s16 =	sadd.s32 s18, s16;
	s29 =	simm.s32 $0x30;
	s23 =	smul.u32 $0x55555556, s24;
	(v2sf) =	vpush v8, $0x7  }
0xcb: {  	v13 =	vperm.xlane v13, v2;
	[dreg:$0xb] =	wrdreg s29;
	s24 =	smulhi.u32 $0x55555556, s6;
	s6 =	sshra.s32 s6, $0x1F;
	(erf) = vrcp.f32 v14;
	v12 =	vld [tilespmem:s26+$0x4000];
	(v2sf) =	vpush v8, $0xB  }
0xcc: {  	s20 =	sadd.s32 s22, s20;
	v9 =	vcombine.low v9, v18;
	s6 =	smul.u32 $0x55555556, s6;
	s29 =	spop (v2sf);
	v14 =	vsel vm2, s10, v22;
	(v2sf) =	vpush v8, $0xF  }
0xcd: {  	vm10 =	vmmov vm9;
	s22 =	sshrl.u32 s20, $0x1F;
	v18 =	vperm.xlane v20, v2;
	s18 =	spop (v2sf);
	s10 =	smul.u32 $0x55555556, s25;
	v14 =	vcombine.low v14, v19  }
0xce: {  	s1 =	sadd.s32 s21, s1;
	v20 =	vmov s22;
	v9 =	vperm.xlane v9, v1;
	s22 =	sadd.s32 s23, s5;
	s23 =	smulhi.u32 $0x55555556, s18;
	(v2sf) =	vpush v8, $0xE  }
0xcf: {  	v10 =	vmul.f32 v24, v10;
	s0 =	sadd.s32 s0, s14;
	s21 =	sadd.s32 s17, s7;
	s26 =	smulhi.u32 $0x55555556, s9;
	v14 =	vperm.xlane v14, v1;
	(v2sf) =	vpush v8, $0x4  }
0xd0: {  	v9 =	vsel vm8, v13, v9;
	s9 =	sadd.s32 s15, s12;
	s15 =	sshra.s32 s29, $0x1F;
	s29 =	smulhi.u32 $0x55555556, s29;
	v17 =	vadd.f32 v12, v16;
	(v2sf) =	vpush v8, $0xD  }
0xd1: {  	s5 =	sshra.s32 s13, $0x1F;
	s6 =	sadd.s32 s6, s24;
	v19 =	vmov s20;
	s12 =	smul.u32 $0x55555556, s15;
	v13 =	vsel vm8, v18, v14;
	(v2sf) =	vpush v8, $0x3  }
0xd2: {  	s15 =	sshrl.u32 s1, $0x1F;
	s25 =	spop (v2sf);
	s20 =	sshrl.u32 s9, $0x1F;
	v13 =	vadd.s32 v13, v9;
	(erf) = vrcp.f32 v17;
	(v2sf) =	vpush v8, $0xC  }
0xd3: {  	vm9 =	vmmov vm12;
	s31 =	sadd.s32 s2, s26;
	s26 =	sadd.s32 s19, s11;
	s2 =	smulhi.u32 $0x55555556, s13;
	v9 =	vmul.f32 v10, v11;
	v11 =	vadd.s32 $0x2A555555, v13  }
0xd4: {  	vm12 =	vmmov vm9;
	vm14 =	vmmov vm11;
	s19 =	smulhi.u32 $0x55555556, s25;
	s11 =	sshra.s32 s25, $0x1F;
	[dreg:$0xc] =	wrdreg s20;
	v10 =	vpop (erf);
	v17 =	vmul.f32 v11, v11  }
0xd5: {  	vm11 =	vmmov vm10;
	s25 =	sshra.s32 s18, $0x1F;
	s20 =	sshrl.u32 s0, $0x1F;
	s11 =	smul.u32 $0x55555556, s11;
	v13 =	vadd.f32 v21, v21;
	v10 =	vmul.f32 v10, v3  }
0xd6: {  	vm10 =	vmmov vm14;
	v14 =	vsel vm0, s16, v19;
	s16 =	sshrl.u32 s16, $0x1F;
	s7 =	sadd.s32 s12, s29;
	s29 =	smul.u32 $0x55555556, s25;
	(erf) = vrcp.f32 v17  }
0xd7: {  	[dreg:$0x10] =	wrdreg s20;
	v19 =	vsel vm0, s16, v20;
	v18 =	vsel vm1, s1, v14;
	s16 =	simm.s32 $0x40;
	s11 =	sadd.s32 s11, s19;
	v10 =	vadd.f32 v10, v13  }
0xd8: {  	s1 =	sadd.s32 s29, s23;
	s29 =	sshrl.u32 s7, $0x1F;
	v17 =	vsel vm1, s15, v19;
	v19 =	vld [tilespmem:s16+$0x2800];
	(v2sf) =	vpush v8, $0x9;
	v13 =	vmov s11;
	s24 =	spop (v2sf)  }
0xd9: {  	s25 =	sshrl.u32 s1, $0x1F;
	[dreg:$0xe] =	wrdreg s29;
	v13 =	vnsel vm3, $0x0, v13;
	v14 =	vmul.f32 $3.333333430e-01, v10;
	v10 =	vmul.f32 v12, v16;
	v12 =	vld [tilespmem:s16+$0x1000];
	s28 =	spop (v2sf)  }
0xda: {  	vm9 =	vmmov vm13;
	s15 =	sadd.s32 s8, s4;
	(v2sf) =	vpush v8, $0x8;
	v16 =	vld [tilespmem:s16+$0x3000];
	v13 =	vsel vm0, s1, v13;
	s13 =	sshra.s32 s28, $0x1F;
	s30 =	spop (v2sf)  }
0xdb: {  	s11 =	sshrl.u32 s11, $0x1F;
	(v2sf) =	vpush v8, $0x2;
	v13 =	vsel vm1, s26, v13;
	v21 =	vmul.f32 v14, v14;
	v20 =	vpop (erf);
	s14 =	smul.u32 $0x55555556, s13;
	s17 =	spop (v2sf)  }
0xdc: {  	v13 =	vsel vm2, s15, v13;
	v10 =	vmul.f32 v20, v10;
	v20 =	vmov s11;
	s11 =	sshrl.u32 s15, $0x1F;
	s13 =	sadd.s32 s10, s3;
	s18 =	smulhi.u32 $0x55555556, s17  }
0xdd: {  	(v2sf) =	vpush v8, $0x6;
	(erf) = vrcp.f32 v21;
	v21 =	vsel vm4, s9, v13;
	s19 =	spop (v2sf);
	s10 =	sshra.s32 s17, $0x1F;
	[dreg:$0xd] =	wrdreg s14  }
0xde: {  	(erf) = vrcp.f32 v12;
	v12 =	vsel vm5, s22, v21;
	v21 =	vadd.f32 v11, v11;
	s9 =	sshrl.u32 s13, $0x1F;
	s17 =	smulhi.u32 $0x55555556, s19;
	s15 =	spop (v2sf)  }
0xdf: {  	v20 =	vnsel vm3, $0x0, v20;
	v22 =	vpop (erf);
	v13 =	vmul.f32 v10, v15;
	v15 =	vsub.f32 v19, v16;
	s23 =	sshra.s32 s19, $0x1F;
	s19 =	smul.u32 $0x55555556, s5;
	s3 =	spop (v2sf)  }
0xe0: {  	(v2sf) =	vpush v8, $0xA;
	v10 =	vld [tilespmem:s16+$0x3800];
	v16 =	vsel vm6, s21, v12;
	v22 =	vmul.f32 v22, v4;
	[dreg:$0xf] =	wrdreg s18;
	s18 =	simm.s32 $0x140;
	s4 =	spop (v2sf)  }
0xe1: {  	v12 =	vld [tilespmem:s16+$0x4000];
	(v2sf) =	vpush v8, $0x1;
	v19 =	vsel vm7, s31, v16;
	v11 =	vmax.f32 v15, $0.0e+00;
	s5 =	smulhi.u32 $0x55555556, s15;
	s12 =	sshra.s32 s3, $0x1F;
	s1 =	spop (v2sf)  }
.LBB2_5:
0xe2: {  	_ =	sdelay $0x3  }
0xe3: {  	[dreg:$0x13] =	wrdreg s4;
	s20 =	smulhi.u32 $0x55555556, s3  }
0xe4: {  	s29 =	sshra.s32 s4, $0x1F;
	s8 =	smov.u32 s18;
	v20 =	vsel vm0, s25, v20;
	s25 =	smov.u32 s30  }
0xe5: {  	s30 =	rddreg [dreg:$0x9];
	s3 =	sadd.s32 s19, s2;
	s19 =	smul.u32 $0x55555556, s29  }
0xe6: {  	s22 =	sshrl.u32 s22, $0x1F;
	[dreg:$0x14] =	wrdreg s8  }
0xe7: {  	[dreg:$0x12] =	wrdreg s19;
	s19 =	sshrl.u32 s26, $0x1F;
	s14 =	spop (v2sf)  }
0xe8: {  	v14 =	vadd.f32 v14, v14;
	p0 =	sne.s32 s18, $0x1F00;
	v16 =	vpop (erf);
	v20 =	vsel vm1, s19, v20;
	s19 =	smul.u32 $0x55555556, s12;
	s4 =	spop (v2sf)  }
0xe9: {  	v21 =	vadd.f32 v22, v21;
	v22 =	vmov s3;
	v16 =	vmul.f32 v16, v3;
	s12 =	sshra.s32 s1, $0x1F;
	s1 =	smulhi.u32 $0x55555556, s1;
	s29 =	spop (v2sf)  }
0xea: {  	v22 =	vsel vm0, s0, v22;
	v20 =	vsel vm2, s11, v20;
	s11 =	rddreg [dreg:$0xc];
	s8 =	sshra.s32 s14, $0x1F;
	s26 =	smulhi.u32 $0x55555556, s29  }
0xeb: {  	v23 =	vld [tilespmem:s30+$0x2000];
	s3 =	sshrl.u32 s3, $0x1F;
	v14 =	vadd.f32 v16, v14;
	v16 =	vsel vm1, s7, v22;
	v20 =	vsel vm4, s11, v20;
	s11 =	sshrl.u32 s31, $0x1F;
	s7 =	smul.u32 $0x55555556, s8  }
0xec: {  	v18 =	vsel vm2, s6, v18;
	v16 =	vsel vm2, s13, v16;
	v20 =	vsel vm5, s22, v20;
	s8 =	sshrl.u32 s21, $0x1F;
	[dreg:$0x15] =	wrdreg s26;
	s26 =	spop (v2sf)  }
0xed: {  	v3 =	vmovc v4;
	v22 =	vld [tilespmem:$0x5800];
	v14 =	vmul.f32 $3.333333430e-01, v14;
	v16 =	vcombine.low v16, v18;
	v20 =	vsel vm6, s8, v20;
	s8 =	rddreg [dreg:$0x10];
	s0 =	sshra.s32 s26, $0x1F;
	s26 =	smulhi.u32 $0x55555556, s26  }
0xee: {  	v4 =	vmovc v5;
	v5 =	vmovc v8;
	s12 =	smul.u32 $0x55555556, s12;
	(v2sf) =	vpush v8, $0x0;
	v8 =	vld [tilespmem:s16+$0x1800];
	v18 =	vsel vm7, s11, v20;
	v20 =	vmov s3;
	s3 =	smov.u32 s16;
	s16 =	rddreg [dreg:$0x14]  }
0xef: {  	v19 =	vperm.xlane v19, v2;
	s13 =	smul.u32 $0x55555556, s23;
	s23 =	sshra.s32 s24, $0x1F;
	[dreg:$0x16] =	wrdreg s26  }
0xf0: {  	v21 =	vmul.f32 $3.333333430e-01, v21;
	v24 =	vpop (erf);
	v14 =	vmul.f32 v14, v23;
	s26 =	sadd.s32 $0x40, s18;
	s18 =	smul.u32 $0x55555556, s23;
	s23 =	rddreg [dreg:$0xe]  }
0xf1: {  	s22 =	sshra.s32 s15, $0x1F;
	v24 =	vmul.f32 v24, v11;
	v16 =	vperm.xlane v16, v1;
	s14 =	smulhi.u32 $0x55555556, s14;
	[dreg:$0x11] =	wrdreg s26  }
0xf2: {  	v14 =	vmul.f32 v14, v22;
	v22 =	vperm.xlane v18, v2;
	v18 =	vsel vm0, s8, v20;
	s26 =	sshra.s32 s29, $0x1F;
	s29 =	sadd.s32 s12, s1;
	s12 =	smul.u32 $0x55555556, s22  }
0xf3: {  	s6 =	sshrl.u32 s6, $0x1F;
	v8 =	vmul.f32 v24, v8;
	s21 =	spop (v2sf);
	v18 =	vsel vm1, s23, v18;
	s15 =	smul.u32 $0x55555556, s26  }
0xf4: {  	v25 =	vmul.f32 v21, v21;
	v16 =	vsel vm8, v19, v16;
	s26 =	sadd.s32 s19, s20;
	v19 =	vsel vm2, s9, v18;
	s9 =	smul.u32 $0x55555556, s10;
	s20 =	rddreg [dreg:$0xa]  }
0xf5: {  	v15 =	vadd.f32 v12, v10;
	vm13 =	vgt.f32 v8, $0.0e+00;
	s22 =	sshra.s32 s21, $0x1F;
	s10 =	smulhi.u32 $0x55555556, s24;
	s24 =	rddreg [dreg:$0xb]  }
0xf6: {  	v17 =	vsel vm2, s6, v17;
	(erf) = vrcp.f32 v25;
	v8 =	vnsel vm13, $0x0, v8;
	s11 =	sshrl.u32 s29, $0x1F;
	s8 =	smul.u32 $0x55555556, s22;
	[dreg:$0xb] =	wrdreg s3  }
0xf7: {  	(erf) = vrcp.f32 v15;
	(v2sf) =	vpush v8, $0x5;
	v20 =	vmov s29;
	s5 =	sadd.s32 s12, s5;
	s12 =	rddreg [dreg:$0x8];
	s22 =	smov.u32 s20  }
0xf8: {  	(v2sf) =	vpush v8, $0x7;
	s29 =	sshrl.u32 s26, $0x1F;
	v15 =	vcombine.low v19, v17;
	v17 =	vsel vm0, s26, v20;
	s26 =	smov.u32 s24;
	[dreg:$0x8] =	wrdreg s22  }
0xf9: {  	s6 =	sadd.s32 s13, s17;
	s13 =	smul.u32 $0x55555556, s0;
	[dreg:$0xa] =	wrdreg s26  }
0xfa: {  	s2 =	sshra.s32 s25, $0x1F;
	s17 =	spop (v2sf);
	(v2sf) =	vpush v8, $0xB;
	s22 =	rddreg [dreg:$0xf]  }
0xfb: {  	v14 =	vmin.f32 v14, v7;
	s16 =	sshra.s32 s16, $0x2;
	s23 =	smulhi.u32 $0x55555556, s28;
	(v2sf) =	vpush v8, $0xF;
	s26 =	rddreg [dreg:$0x15]  }
0xfc: {  	v7 =	vmovc v6;
	v6 =	vmovc v9;
	v9 =	vmov v13;
	v14 =	vnsel vm11, $0x0, v14;
	v13 =	vmov s11;
	s11 =	smul.u32 $0x55555556, s2;
	s19 =	smov.u32 s12;
	s12 =	rddreg [dreg:$0x16]  }
0xfd: {  	[tilespmem:s30+$0x4800] =	vst v14;
	v14 =	vsub.f32 $0.0e+00, v14;
	s1 =	sshrl.u32 s6, $0x1F;
	[dreg:$0x9] =	wrdreg s19;
	s0 =	spop (v2sf);
	(v2sf) =	vpush v8, $0xE  }
0xfe: {  	s2 =	smulhi.u32 $0x55555556, s4;
	s19 =	rddreg [dreg:$0xd];
	s26 =	sadd.s32 s15, s26;
	(v2sf) =	vpush v8, $0x4  }
0xff: {  	[tilespmem:s30+$0x5000] =	vst v14;
	v18 =	vpop (erf);
	v14 =	vperm.xlane v15, v1;
	s15 =	sshra.s32 s17, $0x1F;
	s31 =	sadd.s32 s19, s23;
	s23 =	smulhi.u32 $0x55555556, s21;
	(v2sf) =	vpush v8, $0xD  }
0x100: {  	v15 =	vmul.f32 v18, v3;
	v18 =	vsel vm1, s6, v17;
	s6 =	sadd.s32 s9, s22;
	s22 =	sadd.s32 s18, s10;
	s18 =	smul.u32 $0x55555556, s15;
	(v2sf) =	vpush v8, $0x3  }
0x101: {  	v19 =	vadd.f32 v21, v21;
	s21 =	sadd.s32 s13, s12;
	s19 =	smulhi.u32 $0x55555556, s25;
	s12 =	rddreg [dreg:$0x13];
	v14 =	vsel vm8, v22, v14;
	(v2sf) =	vpush v8, $0xC  }
0x102: {  	s20 =	sshra.s32 s4, $0x1F;
	v13 =	vsel vm0, s29, v13;
	s29 =	sshrl.u32 s5, $0x1F;
	s3 =	smulhi.u32 $0x55555556, s12;
	v14 =	vadd.s32 v14, v16  }
0x103: {  	[dreg:$0xc] =	wrdreg s29;
	v15 =	vadd.f32 v15, v19;
	s24 =	smulhi.u32 $0x55555556, s0;
	s0 =	sshra.s32 s0, $0x1F;
	v16 =	vadd.s32 $0x2A555555, v14  }
0x104: {  	v17 =	vsel vm1, s1, v13;
	s29 =	smul.u32 $0x55555556, s0;
	s0 =	sadd.s32 s7, s14;
	s7 =	sadd.s32 s8, s23;
	v13 =	vmul.f32 v16, v16  }
0x105: {  	v10 =	vmul.f32 v12, v10;
	v14 =	vmul.f32 $3.333333430e-01, v15;
	s14 =	smulhi.u32 $0x55555556, s17;
	s17 =	sshrl.u32 s0, $0x1F;
	s9 =	sshrl.u32 s7, $0x1F  }
0x106: {  	v12 =	vpop (erf);
	s1 =	sadd.s32 s29, s24;
	[dreg:$0x10] =	wrdreg s17;
	(erf) = vrcp.f32 v13;
	s24 =	spop (v2sf)  }
0x107: {  	v21 =	vld [tilespmem:s16+$0x3000];
	v10 =	vmul.f32 v12, v10;
	[dreg:$0xe] =	wrdreg s9;
	s10 =	sadd.s32 s18, s14;
	v13 =	vmul.f32 v14, v14;
	v12 =	vmov s1;
	s28 =	spop (v2sf)  }
0x108: {  	vm11 =	vmmov vm12;
	vm12 =	vmmov vm10;
	v15 =	vld [tilespmem:s16+$0x2800];
	s17 =	rddreg [dreg:$0x12];
	s1 =	sshrl.u32 s1, $0x1F;
	v12 =	vnsel vm3, $0x0, v12;
	s13 =	sshra.s32 s28, $0x1F  }
0x109: {  	v19 =	vld [tilespmem:s16+$0x1000];
	s18 =	sadd.s32 s17, s3;
	(erf) = vrcp.f32 v13;
	v13 =	vmul.f32 v10, v11;
	v11 =	vsel vm0, s10, v12;
	s30 =	spop (v2sf);
	s14 =	smul.u32 $0x55555556, s13  }
0x10a: {  	vm10 =	vmmov vm9;
	(v2sf) =	vpush v8, $0x9;
	v11 =	vsel vm1, s26, v11;
	s15 =	spop (v2sf);
	s13 =	sadd.s32 s11, s19;
	s19 =	smul.u32 $0x55555556, s20  }
0x10b: {  	(v2sf) =	vpush v8, $0x8;
	v20 =	vmov s1;
	v11 =	vsel vm2, s18, v11;
	s11 =	sshrl.u32 s18, $0x1F;
	s18 =	rddreg [dreg:$0x11];
	s23 =	smulhi.u32 $0x55555556, s15  }
.Ltmp1:
0x10c: {  	vm9 =	vmmov vm13;
	s25 =	sshrl.u32 s10, $0x1F;
	(v2sf) =	vpush v8, $0x2;
	v20 =	vnsel vm3, $0x0, v20;
	s29 =	spop (v2sf);
	(pc) =	sbr.rel @p0 .LBB2_5-.Ltmp1, $4  }
0x10d: {  	v15 =	vsub.f32 v15, v21;
	v21 =	vadd.f32 v16, v16;
	v11 =	vsel vm4, s5, v11;
	s10 =	sshra.s32 s15, $0x1F;
	[dreg:$0xd] =	wrdreg s14;
	s15 =	spop (v2sf)  }
0x10e: {  	(v2sf) =	vpush v8, $0x6;
	(erf) = vrcp.f32 v19;
	v11 =	vsel vm5, s22, v11;
	s9 =	sshrl.u32 s13, $0x1F;
	[dreg:$0xf] =	wrdreg s23;
	s3 =	spop (v2sf)  }
0x10f: {  	v10 =	vld [tilespmem:s16+$0x3800];
	(v2sf) =	vpush v8, $0xA;
	v19 =	vsel vm6, s21, v11;
	v11 =	vmax.f32 v15, $0.0e+00;
	v16 =	vpop (erf);
	s23 =	sshra.s32 s29, $0x1F;
	s17 =	smulhi.u32 $0x55555556, s29;
	s4 =	spop (v2sf)  }
0x110: {  	v12 =	vld [tilespmem:s16+$0x4000];
	v19 =	vsel vm7, s31, v19;
	v22 =	vmul.f32 v16, v4;
	(v2sf) =	vpush v8, $0x1;
	s5 =	smulhi.u32 $0x55555556, s15;
	s12 =	sshra.s32 s3, $0x1F;
	s1 =	spop (v2sf)  }
0x111: {  	s3 =	smulhi.u32 $0x55555556, s3  }
0x112: {  	s29 =	smul.u32 $0x55555556, s12  }
0x113: {  	v15 =	vld [tilespmem:s16+$0x1800];
	s8 =	sshra.s32 s4, $0x1F;
	[smem:$0x7F1] =	sst s16;
	s16 =	smul.u32 $0x55555556, s23  }
0x114: {  	s15 =	sshra.s32 s15, $0x1F;
	s18 =	smul.u32 $0x55555556, s8  }
0x115: {  	s12 =	sshra.s32 s1, $0x1F;
	s15 =	smul.u32 $0x55555556, s15  }
0x116: {  	v16 =	vpop (erf);
	[smem:$0x7EC] =	sst s3;
	s3 =	smul.u32 $0x55555556, s12  }
0x117: {  	s17 =	sadd.s32 s16, s17;
	[smem:$0x7EE] =	sst s18;
	s18 =	smulhi.u32 $0x55555556, s1;
	v23 =	vpop (erf)  }
0x118: {  	[smem:$0x7EF] =	sst s17;
	s17 =	smul.u32 $0x55555556, s10;
	v23 =	vmul.f32 v23, v11  }
0x119: {  	s16 =	sadd.s32 s3, s18;
	s3 =	smulhi.u32 $0x55555556, s28;
	s28 =	sld [smem:$0x7EC]  }
0x11a: {  	s10 =	sshra.s32 s24, $0x1F;
	s18 =	sadd.s32 s15, s5;
	s15 =	rddreg [dreg:$0xd];
	v15 =	vmul.f32 v23, v15  }
0x11b: {  	s19 =	sadd.s32 s19, s2;
	s5 =	smul.u32 $0x55555556, s10;
	s8 =	spop (v2sf);
	(v2sf) =	vpush v8, $0x0  }
0x11c: {  	s2 =	sadd.s32 s15, s3;
	s15 =	rddreg [dreg:$0xf];
	s28 =	sadd.s32 s29, s28;
	vm13 =	vgt.f32 v15, $0.0e+00  }
0x11d: {  	s29 =	sadd.s32 s17, s15;
	s17 =	smulhi.u32 $0x55555556, s24;
	s14 =	sshra.s32 s8, $0x1F;
	v15 =	vnsel vm13, $0x0, v15  }
0x11e: {  	[smem:$0x7F0] =	sst s2;
	s24 =	sshra.s32 s30, $0x1F;
	s20 =	smul.u32 $0x55555556, s14;
	(v2sf) =	vpush v15, $0x5  }
0x11f: {  	v29 =	vmov s19;
	s10 =	smul.u32 $0x55555556, s24;
	s14 =	spop (v2sf);
	(v2sf) =	vpush v15, $0x7  }
0x120: {  	s2 =	smov.u32 s4;
	v23 =	vsel vm0, s0, v29;
	[smem:$0x7ED] =	sst s20;
	s20 =	spop (v2sf);
	(v2sf) =	vpush v15, $0xB  }
0x121: {  	s4 =	smov.u32 s30;
	s30 =	smulhi.u32 $0x55555556, s8;
	v23 =	vsel vm1, s7, v23;
	s1 =	spop (v2sf);
	(v2sf) =	vpush v15, $0xF  }
0x122: {  	s26 =	sshrl.u32 s26, $0x1F;
	v30 =	vsel vm2, s13, v23;
	s13 =	smulhi.u32 $0x55555556, s14;
	(v2sf) =	vpush v15, $0xE  }
0x123: {  	v20 =	vsel vm0, s25, v20;
	s25 =	sshrl.u32 s6, $0x1F;
	v18 =	vsel vm2, s6, v18;
	s6 =	sshrl.u32 s19, $0x1F;
	s23 =	smulhi.u32 $0x55555556, s20;
	(v2sf) =	vpush v15, $0x4  }
0x124: {  	s19 =	rddreg [dreg:$0xc];
	s20 =	sshra.s32 s20, $0x1F;
	s12 =	smulhi.u32 $0x55555556, s1;
	(v2sf) =	vpush v15, $0xD  }
0x125: {  	s1 =	sshra.s32 s1, $0x1F;
	s20 =	smul.u32 $0x55555556, s20;
	s24 =	spop (v2sf);
	(v2sf) =	vpush v15, $0x3  }
0x126: {  	v20 =	vsel vm1, s26, v20;
	v17 =	vsel vm2, s25, v17;
	s25 =	rddreg [dreg:$0xe];
	s1 =	smul.u32 $0x55555556, s1;
	s8 =	sshra.s32 s24, $0x1F;
	(v2sf) =	vpush v15, $0xC  }
0x127: {  	v20 =	vsel vm2, s11, v20;
	s23 =	sadd.s32 s20, s23;
	s20 =	sadd.s32 s5, s17;
	s17 =	sld [smem:$0x7ED]  }
0x128: {  	v20 =	vsel vm4, s19, v20;
	s19 =	rddreg [dreg:$0x10];
	s5 =	smul.u32 $0x55555556, s8  }
0x129: {  	s8 =	spop (v2sf);
	s15 =	sadd.s32 s1, s12;
	s12 =	smulhi.u32 $0x55555556, s24  }
0x12a: {  	s7 =	smulhi.u32 $0x55555556, s8;
	s17 =	sadd.s32 s17, s30;
	s30 =	spop (v2sf)  }
0x12b: {  	s14 =	sshra.s32 s14, $0x1F;
	(v2sf) =	vpush v15, $0x9;
	s1 =	smulhi.u32 $0x55555556, s30;
	s3 =	sshra.s32 s30, $0x1F  }
0x12c: {  	s26 =	smul.u32 $0x55555556, s3;
	s3 =	sshra.s32 s8, $0x1F;
	s8 =	sshrl.u32 s22, $0x1F  }
0x12d: {  	v24 =	vmov s6;
	s22 =	smul.u32 $0x55555556, s3;
	s3 =	sshrl.u32 s21, $0x1F;
	s24 =	spop (v2sf)  }
0x12e: {  	v19 =	vperm.xlane v19, v2;
	v21 =	vadd.f32 v22, v21;
	v24 =	vsel vm0, s19, v24;
	s21 =	smulhi.u32 $0x55555556, s4;
	s4 =	sshrl.u32 s31, $0x1F;
	s30 =	spop (v2sf)  }
0x12f: {  	v31 =	vsel vm1, s25, v24;
	(v2sf) =	vpush v15, $0x8;
	v20 =	vsel vm5, s8, v20;
	s31 =	smulhi.u32 $0x55555556, s2;
	s8 =	sadd.s32 s26, s1;
	s0 =	spop (v2sf)  }
0x130: {  	v21 =	vmul.f32 $3.333333430e-01, v21;
	v23 =	vsel vm2, s9, v31;
	v18 =	vcombine.low v30, v18;
	s1 =	smul.u32 $0x55555556, s14;
	s14 =	sadd.s32 s5, s12;
	s11 =	spop (v2sf)  }
0x131: {  	v33 =	vmov s16;
	v17 =	vcombine.low v23, v17;
	v20 =	vsel vm6, s3, v20;
	s12 =	sadd.s32 s22, s7;
	s7 =	sld [smem:$0x7EE];
	s6 =	spop (v2sf)  }
0x132: {  	v18 =	vperm.xlane v18, v1;
	(v2sf) =	vpush v15, $0x2;
	v20 =	vsel vm7, s4, v20;
	s21 =	sadd.s32 s10, s21;
	s4 =	sshrl.u32 s16, $0x1F;
	s19 =	spop (v2sf)  }
0x133: {  	v17 =	vperm.xlane v17, v1;
	v35 =	vmov s8;
	s5 =	sshrl.u32 s8, $0x1F;
	s8 =	sshrl.u32 s28, $0x1F;
	v20 =	vperm.xlane v20, v2;
	s25 =	spop (v2sf)  }
0x134: {  	v32 =	vmul.f32 v21, v21;
	v38 =	vsel vm0, s28, v33;
	s28 =	sshrl.u32 s18, $0x1F;
	s10 =	sshrl.u32 s12, $0x1F;
	v40 =	vmov s5;
	s3 =	spop (v2sf)  }
0x135: {  	v18 =	vsel vm8, v19, v18;
	v41 =	vnsel vm3, $0x0, v40;
	v17 =	vsel vm8, v20, v17;
	s2 =	spop (v2sf);
	s16 =	sshra.s32 s3, $0x1F;
	s3 =	smulhi.u32 $0x55555556, s3  }
0x136: {  	s31 =	sadd.s32 s7, s31;
	v20 =	vsel vm0, s10, v41;
	s10 =	sshrl.u32 s20, $0x1F;
	v17 =	vadd.s32 v17, v18;
	v18 =	vnsel vm3, $0x0, v35;
	s9 =	smulhi.u32 $0x55555556, s2  }
0x137: {  	v36 =	vadd.f32 v12, v10;
	(v2sf) =	vpush v15, $0x6;
	s5 =	sshrl.u32 s31, $0x1F;
	v18 =	vsel vm0, s12, v18;
	s26 =	sshra.s32 s2, $0x1F;
	s7 =	smul.u32 $0x55555556, s16  }
0x138: {  	(erf) = vrcp.f32 v32;
	(v2sf) =	vpush v15, $0xA;
	v18 =	vsel vm1, s23, v18;
	s23 =	sshrl.u32 s23, $0x1F;
	s2 =	sshra.s32 s30, $0x1F;
	s22 =	smul.u32 $0x55555556, s26  }
0x139: {  	(erf) = vrcp.f32 v36;
	(v2sf) =	vpush v15, $0x1;
	v18 =	vsel vm2, s31, v18;
	s31 =	sld [smem:$0x7EF];
	s26 =	sadd.s32 s1, s13;
	s1 =	smul.u32 $0x55555556, s2  }
0x13a: {  	v34 =	vmov s4;
	(v2sf) =	vpush v15, $0x0;
	v20 =	vsel vm1, s23, v20;
	s4 =	spop (v2sf);
	s13 =	smulhi.u32 $0x55555556, s25;
	s2 =	sshra.s32 s6, $0x1F  }
0x13b: {  	v37 =	vadd.s32 $0x2A555555, v17;
	v18 =	vsel vm4, s18, v18;
	v20 =	vsel vm2, s5, v20;
	s5 =	sshrl.u32 s17, $0x1F;
	s16 =	sshra.s32 s4, $0x1F;
	s12 =	smul.u32 $0x55555556, s2  }
0x13c: {  	v19 =	vsel vm0, s8, v34;
	v39 =	vmul.f32 v37, v37;
	v18 =	vsel vm5, s20, v18;
	s9 =	sadd.s32 s22, s9;
	s22 =	sshra.s32 s25, $0x1F;
	s25 =	smulhi.u32 $0x55555556, s6  }
0x13d: {  	s20 =	sshrl.u32 s29, $0x1F;
	v43 =	vsel vm4, s28, v20;
	s28 =	sld [smem:$0x7F0];
	v17 =	vsel vm1, s31, v38;
	v44 =	vmov s26;
	s6 =	smul.u32 $0x55555556, s16  }
0x13e: {  	(erf) = vrcp.f32 v39;
	s8 =	spop (v2sf);
	v42 =	vsel vm2, s29, v17;
	s16 =	sshrl.u32 s31, $0x1F;
	v20 =	vsel vm0, s17, v44;
	s17 =	smulhi.u32 $0x55555556, s19  }
0x13f: {  	v17 =	vsel vm5, s10, v43;
	s10 =	sshrl.u32 s15, $0x1F;
	s29 =	sshrl.u32 s26, $0x1F;
	s22 =	smul.u32 $0x55555556, s22;
	v19 =	vsel vm1, s16, v19;
	v20 =	vsel vm1, s14, v20  }
0x140: {  	v18 =	vsel vm6, s15, v18;
	s26 =	sshrl.u32 s21, $0x1F;
	v19 =	vsel vm2, s20, v19;
	s20 =	sshra.s32 s11, $0x1F;
	v20 =	vsel vm2, s21, v20;
	s21 =	smulhi.u32 $0x55555556, s24  }
0x141: {  	v45 =	vpop (erf);
	v17 =	vsel vm6, s10, v17;
	v25 =	vsel vm7, s28, v18;
	s10 =	sshrl.u32 s28, $0x1F;
	s31 =	spop (v2sf);
	s28 =	smul.u32 $0x55555556, s20  }
0x142: {  	v21 =	vadd.f32 v21, v21;
	v24 =	vmul.f32 v45, v4;
	s2 =	smulhi.u32 $0x55555556, s31;
	s23 =	sshra.s32 s31, $0x1F  }
0x143: {  	v3 =	vmul.f32 v16, v3;
	s18 =	sshrl.u32 s14, $0x1F;
	v46 =	vmov s29;
	s31 =	sshra.s32 s24, $0x1F;
	s16 =	smul.u32 $0x55555556, s23  }
0x144: {  	v21 =	vadd.f32 v24, v21;
	v22 =	vadd.f32 v37, v37;
	v18 =	vsel vm0, s5, v46;
	s29 =	sshrl.u32 s9, $0x1F;
	s12 =	sadd.s32 s12, s25;
	s15 =	smul.u32 $0x55555556, s31  }
0x145: {  	v26 =	vsel vm7, s10, v17;
	v27 =	vmov s9;
	v18 =	vsel vm1, s18, v18;
	s13 =	sadd.s32 s22, s13;
	s31 =	sshra.s32 s19, $0x1F;
	s19 =	smulhi.u32 $0x55555556, s11  }
0x146: {  	v28 =	vmov s29;
	v17 =	vpop (erf);
	v29 =	vsel vm2, s26, v18;
	v52 =	vsel vm0, s13, v27;
	s13 =	sshrl.u32 s13, $0x1F;
	s23 =	spop (v2sf);
	s11 =	smul.u32 $0x55555556, s31  }
0x147: {  	v20 =	vcombine.low v20, v42;
	v47 =	vpop (erf);
	v53 =	vsel vm0, s13, v28;
	v60 =	vsel vm1, s12, v52;
	s12 =	sshrl.u32 s12, $0x1F;
	s10 =	spop (v2sf);
	s26 =	smulhi.u32 $0x55555556, s23  }
0x148: {  	v19 =	vcombine.low v29, v19;
	v24 =	vmul.f32 v47, v5;
	v61 =	vsel vm1, s12, v53;
	s12 =	smulhi.u32 $0x55555556, s30;
	s20 =	spop (v2sf)  }
0x149: {  	v14 =	vadd.f32 v14, v14;
	v50 =	vperm.xlane v25, v2;
	v51 =	vperm.xlane v26, v2;
	s31 =	spop (v2sf);
	s5 =	sadd.s32 s11, s17;
	s17 =	smulhi.u32 $0x55555556, s10  }
0x14a: {  	v20 =	vperm.xlane v20, v1;
	v19 =	vperm.xlane v19, v1;
	v49 =	vadd.f32 v24, v22;
	s29 =	sshra.s32 s20, $0x1F;
	s24 =	smulhi.u32 $0x55555556, s31  }
0x14b: {  	v3 =	vadd.f32 v3, v14;
	v48 =	vmul.f32 $3.333333430e-01, v21;
	s9 =	sshra.s32 s31, $0x1F;
	s14 =	smul.u32 $0x55555556, s29  }
0x14c: {  	v20 =	vsel vm8, v50, v20;
	v19 =	vsel vm8, v51, v19;
	s25 =	smul.u32 $0x55555556, s9;
	v21 =	vmul.f32 $3.333333430e-01, v49  }
0x14d: {  	v54 =	vmul.f32 v48, v48;
	s31 =	sshra.s32 s23, $0x1F;
	v19 =	vadd.s32 v19, v20;
	s9 =	sadd.s32 s28, s19;
	s28 =	smulhi.u32 $0x55555556, s20  }
0x14e: {  	v3 =	vmul.f32 $3.333333430e-01, v3;
	s2 =	sadd.s32 s16, s2;
	s15 =	sadd.s32 s15, s21;
	s20 =	smul.u32 $0x55555556, s31;
	v19 =	vadd.s32 $0x2A555555, v19;
	v57 =	vmul.f32 v21, v21  }
0x14f: {  	(erf) = vrcp.f32 v54;
	s21 =	rddreg [dreg:$0x9];
	s31 =	smulhi.u32 $0x55555556, s4;
	v59 =	vmul.f32 v19, v19;
	s11 =	sadd.s32 s25, s24  }
0x150: {  	s19 =	sshra.s32 s0, $0x1F;
	s0 =	smulhi.u32 $0x55555556, s0;
	v23 =	vsel vm2, s9, v60;
	v55 =	vmov s11;
	s11 =	sshrl.u32 s11, $0x1F;
	(erf) = vrcp.f32 v57  }
0x151: {  	s13 =	sadd.s32 s14, s28;
	s24 =	sshra.s32 s8, $0x1F;
	s8 =	smulhi.u32 $0x55555556, s8;
	v56 =	vmov s11;
	v58 =	vnsel vm3, $0x0, v55;
	(erf) = vrcp.f32 v59  }
0x152: {  	v19 =	vadd.f32 v19, v19;
	s22 =	sadd.s32 s20, s26;
	s23 =	sshrl.u32 s13, $0x1F;
	s29 =	smul.u32 $0x55555556, s24;
	v22 =	vnsel vm3, $0x0, v56;
	v20 =	vsel vm0, s13, v58  }
0x153: {  	s25 =	sshrl.u32 s2, $0x1F;
	s26 =	sadd.s32 s7, s3;
	v21 =	vadd.f32 v21, v21;
	s13 =	sshrl.u32 s9, $0x1F;
	v22 =	vsel vm0, s23, v22;
	v20 =	vsel vm1, s2, v20  }
0x154: {  	s28 =	sshra.s32 s10, $0x1F;
	s7 =	sadd.s32 s29, s8;
	s2 =	sshrl.u32 s26, $0x1F;
	v24 =	vsel vm2, s13, v61;
	v22 =	vsel vm1, s25, v22;
	v20 =	vsel vm2, s26, v20  }
0x155: {  	s3 =	smul.u32 $0x55555556, s28;
	s8 =	sshrl.u32 s5, $0x1F;
	v62 =	vmov s7;
	s18 =	sshrl.u32 s7, $0x1F;
	v22 =	vsel vm2, s2, v22;
	v20 =	vsel vm4, s5, v20  }
0x156: {  	s16 =	sshrl.u32 s15, $0x1F;
	s11 =	smul.u32 $0x55555556, s19;
	v63 =	vmov s18;
	s2 =	sadd.s32 s6, s31;
	v22 =	vsel vm4, s8, v22;
	v20 =	vsel vm5, s15, v20  }
0x157: {  	s19 =	sshrl.u32 s22, $0x1F;
	s3 =	sadd.s32 s3, s17;
	v25 =	vsel vm0, s2, v62;
	s2 =	sshrl.u32 s2, $0x1F;
	v22 =	vsel vm5, s16, v22;
	v20 =	vsel vm6, s22, v20  }
0x158: {  	s1 =	sadd.s32 s1, s12;
	v30 =	vpop (erf);
	s0 =	sadd.s32 s11, s0;
	s20 =	sshrl.u32 s3, $0x1F;
	v26 =	vsel vm0, s2, v63;
	v28 =	vsel vm1, s3, v25;
	v22 =	vsel vm6, s19, v22  }
0x159: {  	v31 =	vld [tilespmem:s21+$0x2000];
	v20 =	vsel vm7, s1, v20;
	v29 =	vsel vm1, s20, v26;
	v16 =	vsel vm2, s0, v28;
	s0 =	sshrl.u32 s0, $0x1F;
	v32 =	vpop (erf)  }
0x15a: {  	s1 =	sshrl.u32 s1, $0x1F;
	v25 =	vsel vm2, s0, v29;
	v16 =	vcombine.low v16, v23;
	v23 =	vmul.f32 v32, v5;
	v33 =	vpop (erf)  }
0x15b: {  	v22 =	vsel vm7, s1, v22;
	v24 =	vcombine.low v25, v24;
	v25 =	vmul.f32 v33, v8  }
0x15c: {  	v34 =	vld [tilespmem:$0x5800];
	v20 =	vperm.xlane v20, v2;
	v22 =	vperm.xlane v22, v2;
	v21 =	vadd.f32 v23, v21  }
0x15d: {  	v16 =	vperm.xlane v16, v1;
	v24 =	vperm.xlane v24, v1;
	v19 =	vadd.f32 v25, v19  }
0x15e: {  	v3 =	vmul.f32 v3, v31;
	v35 =	vmul.f32 $3.333333430e-01, v21  }
0x15f: {  	v16 =	vsel vm8, v20, v16;
	v36 =	vsel vm8, v22, v24;
	v19 =	vmul.f32 $3.333333430e-01, v19  }
0x160: {  	v16 =	vadd.s32 v36, v16;
	v21 =	vmul.f32 v35, v35  }
0x161: {  	v3 =	vmul.f32 v3, v34;
	v16 =	vadd.s32 $0x2A555555, v16;
	v37 =	vmul.f32 v19, v19  }
0x162: {  	v38 =	vmul.f32 v16, v16;
	(erf) = vrcp.f32 v21  }
0x163: {  	v3 =	vmin.f32 v3, v7;
	(erf) = vrcp.f32 v37  }
0x164: {  	v3 =	vnsel vm11, $0x0, v3;
	(erf) = vrcp.f32 v38  }
0x165: {  	v39 =	vsub.f32 $0.0e+00, v3  }
0x166: {  	[tilespmem:s21+$0x4800] =	vst v3  }
0x167: {  	v40 =	vmul.f32 v30, v4;
	v3 =	vadd.f32 v48, v48;
	s22 =	rddreg [dreg:$0x8];
	[tilespmem:s21+$0x5000] =	vst v39  }
0x168: {  	v7 =	vld [tilespmem:s22+$0x2000]  }
0x169: {  	v3 =	vadd.f32 v40, v3  }
0x16a: {  	v42 =	vld [tilespmem:$0x5800]  }
0x16b: {  	v3 =	vmul.f32 $3.333333430e-01, v3;
	v41 =	vpop (erf)  }
0x16c: {  	v20 =	vpop (erf)  }
0x16d: {  	v3 =	vmul.f32 v3, v7;
	v19 =	vadd.f32 v19, v19;
	v20 =	vmul.f32 v20, v8;
	v21 =	vpop (erf)  }
0x16e: {  	v43 =	vadd.f32 v16, v16;
	v44 =	vmul.f32 v21, v15  }
0x16f: {  	v3 =	vmul.f32 v3, v42;
	v19 =	vadd.f32 v20, v19  }
0x170: {  	v7 =	vadd.f32 v44, v43  }
0x171: {  	vm11 =	vmmov vm12;
	v3 =	vmin.f32 v3, v6;
	v45 =	vmul.f32 $3.333333430e-01, v19  }
0x172: {  	v3 =	vnsel vm11, $0x0, v3;
	v46 =	vmul.f32 $3.333333430e-01, v7  }
0x173: {  	v48 =	vsub.f32 $0.0e+00, v3;
	v47 =	vmul.f32 v45, v45  }
0x174: {  	[tilespmem:s22+$0x4800] =	vst v3;
	v49 =	vmul.f32 v46, v46  }
0x175: {  	s23 =	rddreg [dreg:$0xa];
	v3 =	vadd.f32 v35, v35;
	[tilespmem:s22+$0x5000] =	vst v48;
	v4 =	vmul.f32 v41, v5;
	(erf) = vrcp.f32 v47  }
0x176: {  	v50 =	vld [tilespmem:s23+$0x2000];
	(erf) = vrcp.f32 v49  }
0x177: {  	v3 =	vadd.f32 v4, v3  }
0x178: {  	v51 =	vld [tilespmem:$0x5800]  }
0x179: {  	v3 =	vmul.f32 $3.333333430e-01, v3;
	_ =	sdelay $0x1  }
0x17a: {  	v3 =	vmul.f32 v3, v50;
	_ =	sdelay $0x1  }
0x17b: {  	v3 =	vmul.f32 v3, v51  }
0x17c: {  	vm10 =	vmmov vm10;
	v52 =	vpop (erf)  }
0x17d: {  	vm10 =	vmmov vm10;
	v3 =	vmin.f32 v3, v9;
	v53 =	vpop (erf)  }
0x17e: {  	v6 =	vadd.f32 v46, v46;
	v3 =	vnsel vm10, $0x0, v3;
	v5 =	vmul.f32 v53, v15  }
0x17f: {  	v54 =	vsub.f32 $0.0e+00, v3  }
0x180: {  	[tilespmem:s23+$0x4800] =	vst v3;
	v5 =	vadd.f32 v5, v6  }
0x181: {  	s24 =	rddreg [dreg:$0xb];
	v3 =	vadd.f32 v45, v45;
	[tilespmem:s23+$0x5000] =	vst v54;
	v4 =	vmul.f32 v52, v8  }
0x182: {  	v55 =	vld [tilespmem:s24+$0x2000];
	v5 =	vmul.f32 $3.333333430e-01, v5  }
0x183: {  	v3 =	vadd.f32 v4, v3  }
0x184: {  	v7 =	vld [tilespmem:$0x5800];
	v56 =	vmul.f32 v5, v5  }
0x185: {  	v3 =	vmul.f32 $3.333333430e-01, v3  }
0x186: {  	(erf) = vrcp.f32 v56  }
0x187: {  	v3 =	vmul.f32 v3, v55;
	_ =	sdelay $0x1  }
0x188: {  	vm9 =	vmmov vm9;
	v3 =	vmul.f32 v3, v7  }
0x189: {  	vm9 =	vmmov vm9  }
0x18a: {  	vm9 =	vmmov vm9;
	v3 =	vmin.f32 v3, v13  }
0x18b: {  	v3 =	vnsel vm9, $0x0, v3;
	_ =	sdelay $0x1  }
0x18c: {  	s25 =	sld [smem:$0x7F1];
	v57 =	vsub.f32 $0.0e+00, v3  }
0x18d: {  	[tilespmem:s24+$0x4800] =	vst v3;
	v3 =	vpop (erf)  }
0x18e: {  	v58 =	vadd.f32 v5, v5;
	[tilespmem:s24+$0x5000] =	vst v57;
	v3 =	vmul.f32 v3, v15  }
0x18f: {  	v59 =	vld [tilespmem:s25+$0x2000]  }
0x190: {  	v3 =	vadd.f32 v3, v58  }
0x191: {  	v60 =	vld [tilespmem:$0x5800]  }
0x192: {  	v61 =	vmul.f32 v12, v10;
	v3 =	vmul.f32 $3.333333430e-01, v3;
	_ =	sdelay $0x1  }
0x193: {  	v6 =	vmul.f32 v17, v61;
	v3 =	vmul.f32 v3, v59  }
0x194: {  	vm9 =	vmmov vm13  }
0x195: {  	v62 =	vmul.f32 v6, v11;
	vm9 =	vmmov vm9;
	v3 =	vmul.f32 v3, v60  }
0x196: {  	vm9 =	vmmov vm9  }
0x197: {  	vm9 =	vmmov vm9;
	v3 =	vmin.f32 v3, v62  }
0x198: {  	v3 =	vnsel vm9, $0x0, v3  }
0x199: {  	v63 =	vsub.f32 $0.0e+00, v3  }
0x19a: {  	s4 =	simm.s32 $0x2;
	s28 =	simm.s32 $0x4800;
	[tilespmem:s25+$0x4800] =	vst v3  }
0x19b: {  	s26 =	rddreg [dreg:$0x6];
	s5 =	simm.s32 $0x800;
	s6 =	simm.s32 $0x7D0;
	[tilespmem:s25+$0x5000] =	vst v63  }
0x19c: {  	[spmem:s26] =	stream.indirect.scatter.add.f32 [tilespmem:s28], [sflag:$0x2], $0x1, s5, s6, $0xb8;
	[tilespmem:$0x8970] =	vst v63  }
0x19d: {  	_ =	swait.ge [sflag:s4], $0x7D0  }
0x19e: {  	[sflag:s4] =	ssyncset.done $0x0  }
0x19f: {  	s30 =	simm.s32 $0x5000;
	s29 =	simm.s32 $0x0;
	[sflag:s4] =	ssyncadd.s32 $0xFFFFF830  }
0x1a0: {  	[spmem:s26] =	stream.indirect.scatter.add.f32 [tilespmem:s30], [sflag:$0x2], $0x1, s29, s6, $0xb8;
	[tilespmem:$0x8970] =	vst v63  }
0x1a1: {  	_ =	swait.ge [sflag:s4], $0x7D0  }
0x1a2: {  	s31 =	rddreg [dreg:$0x1f]  }
0x1a3: {  	s0 =	sadd.s32 $0x1, s31  }
0x1a4: {  	p0 =	sne.s32 s0, $0x64  }
.Ltmp2:
0x1a5: {  	_ = 	snop;
	(pc) =	sbr.rel @p0 .LBB2_4-.Ltmp2, $3  }
0x1a6: {  	_ =	sdelay $0x1  }
0x1a7: {  	[sflag:s4] =	ssyncset.done $0x0  }
0x1a8: {  	[sflag:s4] =	ssyncadd.s32 $0xFFFFF830  }
0x1a9: {  	[bflag:$0x0] =	sbarrier.arrive $0xFFFF  }
0x1aa: {  	s3 =	simm.s32 $0x5880;
	s2 =	rddreg [dreg:$0x1a]  }
0x1ab: {  	[tilespmem:s3], [sflag:$0x2] =	stream.linear.gather [spmem:s2], $0x1870, $0x38;
	[tilespmem:$0x8970] =	vst v63  }
0x1ac: {  	_ =	swait.ge [sflag:s4], $0x1870  }
0x1ad: {  	[sflag:s4] =	ssyncset.done $0x0  }
0x1ae: {  	s0 =	simm.s32 $0x0;
	s1 =	rddreg [dreg:$0x1c];
	[sflag:s4] =	ssyncadd.s32 $0xFFFFE790  }
0x1af: {  	[hbm4b:s1+s0] =	stream.linear.scatter [tilespmem:s3], [sflag:$0x2], $0x1870, $0x38;
	[tilespmem:$0x8970] =	vst v63  }
0x1b0: {  	_ =	swait.ge [sflag:s4], $0x1870  }
0x1b1: {  	s30 =	rddreg [dreg:$0x1e]  }
0x1b2: {  	s31 =	rddreg [dreg:$0x1d];
	s1 =	sadd.s32 $0x1, s30  }
0x1b3: {  	p0 =	sne.s32 s1, s31  }
.Ltmp3:
0x1b4: {  	_ = 	snop;
	(pc) =	sbr.rel @p0 .LBB2_1-.Ltmp3, $3  }
0x1b5: {  	_ =	sdelay $0x1  }
0x1b6: {  	[sflag:s4] =	ssyncset.done $0x0  }
0x1b7: {  	[sflag:s4] =	ssyncadd.s32 $0xFFFFE790  }
0x1b8: {  	_ =	sfence.sel $0x180000  }
0x1b9: {  	[bflag:$0x0] =	sbarrier.arrive $0xFFFF  }
0x1ba: {  	_ =	strace $0x90000047  }
0x1bb: {  	s0 =	stileid.u32;
	[bflag:$0x2] =	sbarrier.arrive $0xFFFF  }
0x1bc: {  	p0 =	sne.s32 s0, $0x0;
	s0 =	rddreg [dreg:$0x7]  }
0x1bd: {  	s0 =	sadd.s32 @!p0 $0x100000, s0  }
0x1be: {  	[sflag:s0] =	ssyncadd.tile.s32 @!p0 $0x1;
	_ =	shalt  }
.Lfunc_end2:
_tile_overlayer_lowered:
.L_overlay_start_2:
0x1bf: {  	(tag) =	ssettag $0x2  }
0x1c0: {  	s0 =	rddreg [dreg:$0x0];
	s2 =	stileid.u32  }
0x1c1: {  	s1 =	rddreg [dreg:$0x1];
	p0 =	sne.s32 s2, $0x0  }
0x1c2: {  	s3 =	rddreg [dreg:$0x2];
	[bflag:$0x3] =	sbarrier.arrive $0xFFFF;
	s2 =	simm.s32 @!p0 $0x1C02  }
0x1c3: {  	[timem:s3], [sflag:s2] =	dma.local @!p0 [hbm:s0], s1  }
0x1c4: {  	s0 =	simm.s32 @!p0 $0x2  }
0x1c5: {  	_ =	swait.ge @!p0 [sflag:s0], s1  }
0x1c6: {  	s1 =	ssub.s32 @!p0 $0x0, s1;
	[sflag:s0] =	ssyncset.done @!p0 $0x0  }
0x1c7: {  	[sflag:s0] =	ssyncadd.s32 @!p0 s1  }
0x1c8: {  	[bflag:$0x3] =	sbarrier.arrive $0xFFFF  }
0x1c9: {  	_ =	shalt  }

</sc_bundles>
